<compile_context>
chip_gen: v7x
topology: tpu7x:2x2x1
jax: 0.10.2.dev20260603
libtpu: 0.0.44.dev20260713+nightly
codegen_flags: <defaults>
</compile_context>

<pallas_src>
import functools

import numpy as np
import jax
import jax.numpy as jnp
from jax import lax
from jax.experimental import pallas as pl
from jax.experimental.pallas import tpu as pltpu
from jax.experimental.pallas import tpu_sc as plsc

TOP_K = 30
K_PAD = 32
NUM_RBF = 16
MAX_REL = 32
D_SIGMA = (22.0 - 2.0) / NUM_RBF

_ATOM_COL = {"N": 0, "Ca": 3, "C": 6, "O": 9, "Cb": 12}
_PAIRS = [("N", "N"), ("C", "C"), ("O", "O"), ("Cb", "Cb"), ("Ca", "N"),
          ("Ca", "C"), ("Ca", "O"), ("Ca", "Cb"), ("N", "C"), ("N", "O"),
          ("N", "Cb"), ("Cb", "C"), ("Cb", "O"), ("O", "C"), ("N", "Ca"),
          ("C", "Ca"), ("O", "Ca"), ("Cb", "Ca"), ("C", "N"), ("O", "N"),
          ("Cb", "N"), ("C", "Cb"), ("O", "Cb"), ("C", "O")]
_NPAIR = len(_PAIRS)

def _build_consts():
    sab = np.zeros((64, 128), np.float32)
    g = np.zeros((128, 32), np.float32)
    for p, (a, b) in enumerate(_PAIRS):
        for d in range(3):
            sab[_ATOM_COL[a] + d, 3 * p + d] = 1.0
            sab[32 + _ATOM_COL[b] + d, 3 * p + d] = -1.0
            g[3 * p + d, p + 1] = 1.0
    r = np.zeros((32, 25 * NUM_RBF), np.float32)
    for j in range(25):
        r[j, j * NUM_RBF:(j + 1) * NUM_RBF] = 1.0
    mu = np.tile(np.linspace(2.0, 22.0, NUM_RBF, dtype=np.float32), 25)[None, :]
    ones = np.full((128, 128), 1.0 / 128.0, np.float32)
    return sab, g, r, mu, ones

_SAB, _G, _R, _MU, _ONES = _build_consts()


def _k1_body(RB, L, xc_ref, xq_ref, xp_ref, mc_ref, mq_ref, r_ref, c_ref,
             dn_ref, eil_ref, eig_ref, tbl_ref):
    b = pl.program_id(0)
    xc = xc_ref[0]
    xq = xq_ref[0]
    mc = mc_ref[0]
    mq = mq_ref[0]

    dx = xc[:, 3:4] - xq[0:1, :]
    dy = xc[:, 4:5] - xq[1:2, :]
    dz = xc[:, 5:6] - xq[2:3, :]
    m2 = mc * mq
    D = m2 * jnp.sqrt(dx * dx + dy * dy + dz * dz + 1e-6)
    dmax = jnp.max(D, axis=0, keepdims=True)
    Dadj = D + (1.0 - m2) * dmax

    iota_c = lax.broadcasted_iota(jnp.int32, (L, RB), 0)
    iota_k = lax.broadcasted_iota(jnp.int32, (K_PAD, RB), 0)
    BIG = jnp.float32(3.0e38)

    def step(k, carry):
        dw, dn, ei = carry
        m = jnp.min(dw, axis=0, keepdims=True)
        cand = jnp.where(dw <= m, iota_c, L)
        am = jnp.min(cand, axis=0, keepdims=True)
        dw = jnp.where(iota_c == am, BIG, dw)
        sel = iota_k == k
        dn = jnp.where(sel, m, dn)
        ei = jnp.where(sel, am, ei)
        return dw, dn, ei

    _, dn, ei = lax.fori_loop(
        0, TOP_K, step,
        (Dadj, jnp.zeros((K_PAD, RB), jnp.float32),
         jnp.zeros((K_PAD, RB), jnp.int32)))
    dn_t = jnp.transpose(dn)[:, :TOP_K]
    ei_t = jnp.transpose(ei)[:, :TOP_K]
    dn_ref[0] = dn_t
    eil_ref[0] = ei_t
    eig_ref[0] = ei_t + b * L

    xp = xp_ref[0]
    n_ = xp[:, 0:3]
    ca = xp[:, 3:6]
    c_ = xp[:, 6:9]
    o_ = xp[:, 9:12]
    bv = ca - n_
    cv = c_ - ca
    ax = bv[:, 1:2] * cv[:, 2:3] - bv[:, 2:3] * cv[:, 1:2]
    ay = bv[:, 2:3] * cv[:, 0:1] - bv[:, 0:1] * cv[:, 2:3]
    az = bv[:, 0:1] * cv[:, 1:2] - bv[:, 1:2] * cv[:, 0:1]
    a3 = jnp.concatenate([ax, ay, az], axis=1)
    cb = -0.58273431 * a3 + 0.56802827 * bv - 0.54067466 * cv + ca
    rf = lax.bitcast_convert_type(r_ref[0], jnp.float32)
    cf = lax.bitcast_convert_type(c_ref[0], jnp.float32)
    tbl_ref[0] = jnp.concatenate(
        [n_, ca, c_, o_, cb, rf, cf, jnp.zeros((RB, 111), jnp.float32)],
        axis=1)


def _k3_body(RB2, qt_ref, nb_ref, dn_ref, wpos_ref, bpos_ref, we_ref,
             lng_ref, lnb_ref, sab_ref, g_ref, r_ref, mu_ref, ones_ref,
             out_ref):
    E = RB2 * TOP_K
    qt = qt_ref[...][:, :32]
    qe = jnp.broadcast_to(qt[:, None, :], (RB2, TOP_K, 32)).reshape(E, 32)
    nb = nb_ref[...][:, :32]
    qn = jnp.concatenate([qe, nb], axis=1)
    uv = jnp.dot(qn, sab_ref[...], preferred_element_type=jnp.float32)
    w2 = uv * uv
    d2 = jnp.dot(w2, g_ref[...], preferred_element_type=jnp.float32)
    dpair = jnp.sqrt(d2 + 1e-6)
    lane_k = lax.broadcasted_iota(jnp.int32, (1, 32), 1)
    dall = jnp.where(lane_k == 0, dn_ref[...], dpair)
    dexp = jnp.dot(dall, r_ref[...], preferred_element_type=jnp.float32)
    t = (dexp - mu_ref[...]) * (1.0 / D_SIGMA)
    frbf = jnp.exp(-(t * t))

    rq = lax.bitcast_convert_type(qe[:, 15:16], jnp.int32)
    rn = lax.bitcast_convert_type(nb[:, 15:16], jnp.int32)
    cq = lax.bitcast_convert_type(qe[:, 16:17], jnp.int32)
    cn = lax.bitcast_convert_type(nb[:, 16:17], jnp.int32)
    ech = (cq == cn).astype(jnp.int32)
    off = jnp.clip(rq - rn + MAX_REL, 0, 2 * MAX_REL)
    dpos = off * ech + (1 - ech) * (2 * MAX_REL + 1)
    lane66 = lax.broadcasted_iota(jnp.int32, (1, 2 * MAX_REL + 2), 1)
    oh = (dpos == lane66).astype(jnp.float32)
    epos = lax.dot_general(oh, wpos_ref[...], (((1,), (1,)), ((), ())),
                           preferred_element_type=jnp.float32) + bpos_ref[...]
    f = jnp.concatenate([epos, frbf], axis=1)
    eo = lax.dot_general(f, we_ref[...], (((1,), (1,)), ((), ())),
                         preferred_element_type=jnp.float32)
    mu_ = jnp.dot(eo, ones_ref[...], preferred_element_type=jnp.float32)
    dev = eo - mu_
    var = jnp.dot(dev * dev, ones_ref[...],
                  preferred_element_type=jnp.float32)
    out_ref[...] = (dev * lax.rsqrt(var + 1e-5) * lng_ref[...]
                    + lnb_ref[...])


def _sc_gather(table, idx):
    info = plsc.get_sparse_core_info()
    nw = info.num_cores * info.num_subcores
    btot = idx.shape[0]
    b_per_w = btot // nw
    d = table.shape[1]
    nbuf = 3
    nchunk = 8
    ch = b_per_w // nchunk
    mesh = plsc.VectorSubcoreMesh(core_axis_name="c", subcore_axis_name="s")

    @functools.partial(
        pl.kernel, mesh=mesh,
        out_type=jax.ShapeDtypeStruct((btot, d), jnp.float32),
        scratch_types=[
            pltpu.VMEM((b_per_w,), jnp.int32),
            *[pltpu.VMEM((ch, d), jnp.float32) for _ in range(nbuf)],
            *[pltpu.SemaphoreType.DMA for _ in range(2 * nbuf)],
        ],
    )
    def k(table_hbm, idx_hbm, out_hbm, idx_v, *bufs_sems):
        bufs = bufs_sems[:nbuf]
        gsem = bufs_sems[nbuf:2 * nbuf]
        ssem = bufs_sems[2 * nbuf:3 * nbuf]
        wid = lax.axis_index("s") * info.num_cores + lax.axis_index("c")
        base = wid * b_per_w
        pltpu.sync_copy(idx_hbm.at[pl.ds(base, b_per_w)], idx_v)
        ghandles = {}
        shandles = {}
        for ci in range(min(nbuf, nchunk)):
            ghandles[ci] = pltpu.async_copy(
                table_hbm.at[idx_v.at[pl.ds(ci * ch, ch)]],
                bufs[ci], gsem[ci])
        for ci in range(nchunk):
            bi = ci % nbuf
            ghandles[ci].wait()
            shandles[ci] = pltpu.async_copy(
                bufs[bi], out_hbm.at[pl.ds(base + ci * ch, ch)], ssem[bi])
            nxt = ci + nbuf
            if nxt < nchunk:
                shandles[ci].wait()
                ghandles[nxt] = pltpu.async_copy(
                    table_hbm.at[idx_v.at[pl.ds(nxt * ch, ch)]],
                    bufs[bi], gsem[bi])
        for ci in range(max(nchunk - nbuf, 0), nchunk):
            shandles[ci].wait()

    return k(table, idx)


def _stage1(X, mask, R_idx, chain_labels, RB=128):
    B, L = mask.shape
    Xp = X.reshape(B, L, 12)
    CaT = jnp.moveaxis(X[:, :, 1, :], -1, 1)
    mrow = mask.reshape(B, 1, L)
    mcol = mask.reshape(B, L, 1)
    rcol = R_idx.reshape(B, L, 1)
    ccol = chain_labels.reshape(B, L, 1)
    grid = (B, L // RB)
    out_shapes = [
        jax.ShapeDtypeStruct((B, L, TOP_K), jnp.float32),
        jax.ShapeDtypeStruct((B, L, TOP_K), jnp.int32),
        jax.ShapeDtypeStruct((B, L, TOP_K), jnp.int32),
        jax.ShapeDtypeStruct((B, L, 128), jnp.float32),
    ]
    row_spec = lambda w: pl.BlockSpec((1, RB, w), lambda b, r: (b, r, 0))
    return pl.pallas_call(
        functools.partial(_k1_body, RB, L),
        grid=grid,
        in_specs=[
            pl.BlockSpec((1, L, 12), lambda b, r: (b, 0, 0)),
            pl.BlockSpec((1, 3, RB), lambda b, r: (b, 0, r)),
            row_spec(12),
            pl.BlockSpec((1, L, 1), lambda b, r: (b, 0, 0)),
            pl.BlockSpec((1, 1, RB), lambda b, r: (b, 0, r)),
            row_spec(1),
            row_spec(1),
        ],
        out_specs=[row_spec(TOP_K), row_spec(TOP_K), row_spec(TOP_K),
                   row_spec(128)],
        out_shape=out_shapes,
    )(Xp, CaT, Xp, mcol, mrow, rcol, ccol)


def _stage3(table, nbr, dncol, W_pos, b_pos, W_e, ln_g, ln_b, RB2=128,
            row_off=0):
    nres = nbr.shape[0] // TOP_K
    E = RB2 * TOP_K
    grid = (nres // RB2,)
    qoff = row_off // RB2
    full = lambda s: pl.BlockSpec(s, lambda i: (0,) * len(s))
    return pl.pallas_call(
        functools.partial(_k3_body, RB2),
        grid=grid,
        in_specs=[
            pl.BlockSpec((RB2, 128), lambda i: (i + qoff, 0)),
            pl.BlockSpec((E, 128), lambda i: (i, 0)),
            pl.BlockSpec((E, 1), lambda i: (i, 0)),
            full((16, 66)),
            full((1, 16)),
            full((128, 416)),
            full((1, 128)),
            full((1, 128)),
            full((64, 128)),
            full((128, 32)),
            full((32, 25 * NUM_RBF)),
            full((1, 25 * NUM_RBF)),
            full((128, 128)),
        ],
        out_specs=pl.BlockSpec((E, 128), lambda i: (i, 0)),
        out_shape=jax.ShapeDtypeStruct((nres * TOP_K, 128), jnp.float32),
    )(table, nbr, dncol, W_pos, b_pos.reshape(1, 16), W_e,
      ln_g.reshape(1, 128), ln_b.reshape(1, 128),
      jnp.asarray(_SAB), jnp.asarray(_G),
      jnp.asarray(_R), jnp.asarray(_MU), jnp.asarray(_ONES))


def kernel(X, mask, R_idx, chain_labels, W_pos, b_pos, W_e, ln_g, ln_b):
    B, L = mask.shape
    dn, eil, eig, table = _stage1(X, mask, R_idx, chain_labels)
    tbl2 = table.reshape(B * L, 128)
    nbr = _sc_gather(tbl2, eig.reshape(B * L * TOP_K))
    E = _stage3(tbl2, nbr, dn.reshape(B * L * TOP_K, 1),
                W_pos, b_pos, W_e, ln_g, ln_b).reshape(B, L, TOP_K, 128)
    return E, eil
    E_idx = eil[:, :, :TOP_K]
    return E, E_idx

# --- scband reference (transcript-rebuilt; emitter-appended) ---
"""Pipeline reference for scband-protein-features-ligand-54357106098678 (READ-ONLY COPY).

The authoritative reference and input builder live on the scoring server;
editing this copy changes nothing except your own understanding.
"""

import jax, jax.numpy as jnp
import numpy as np

TOP_K = 30
NUM_RBF = 16
NUM_POS = 16
EDGE_FEATURES = 128
MAX_REL = 32
B, L = 4, 512


def _rbf(D):
    D_mu = jnp.linspace(2.0, 22.0, NUM_RBF).reshape(1, 1, 1, -1)
    D_sigma = (22.0 - 2.0) / NUM_RBF
    return jnp.exp(-((D[..., None] - D_mu) / D_sigma) ** 2)


def gather_edges(edges, E_idx):
    # edges: [B, L, L, C], E_idx: [B, L, K] -> [B, L, K, C]
    idx = jnp.broadcast_to(E_idx[..., None], E_idx.shape + (edges.shape[-1],))
    return jnp.take_along_axis(edges, idx, axis=2)


def _get_rbf(A, Bv, E_idx):
    D_A_B = jnp.sqrt(jnp.sum((A[:, :, None, :] - Bv[:, None, :, :]) ** 2, -1) + 1e-6)
    D_nb = gather_edges(D_A_B[..., None], E_idx)[..., 0]
    return _rbf(D_nb)


def _dist(Xc, mask, eps=1e-6):
    mask_2D = mask[:, None, :] * mask[:, :, None]
    dX = Xc[:, None, :, :] - Xc[:, :, None, :]
    D = mask_2D * jnp.sqrt(jnp.sum(dX ** 2, 3) + eps)
    D_max = jnp.max(D, -1, keepdims=True)
    D_adjust = D + (1.0 - mask_2D) * D_max
    k = min(TOP_K, Xc.shape[1])
    neg_vals, E_idx = jax.lax.top_k(-D_adjust, k)
    return -neg_vals, E_idx


def _positional(offset, E_chains, W_pos, b_pos):
    d = jnp.clip(offset + MAX_REL, 0, 2 * MAX_REL) * E_chains + (1 - E_chains) * (2 * MAX_REL + 1)
    d_onehot = jax.nn.one_hot(d, 2 * MAX_REL + 2, dtype=jnp.float32)
    return d_onehot @ W_pos.T + b_pos


def setup_inputs(seed: int = 0) -> dict:
    key = jax.random.key(seed)
    ks = jax.random.split(key, 5)
    X = jax.random.normal(ks[0], (B, L, 4, 3), dtype=jnp.float32)
    mask = jnp.ones((B, L), dtype=jnp.float32)
    R_idx = jnp.arange(B * L, dtype=jnp.int32).reshape(B, L)
    chain_labels = jnp.zeros((B, L), dtype=jnp.int32)
    edge_in = NUM_POS + NUM_RBF * 25
    W_pos = jax.random.normal(ks[1], (NUM_POS, 2 * MAX_REL + 2), dtype=jnp.float32) * 0.1
    b_pos = jnp.zeros((NUM_POS,), dtype=jnp.float32)
    W_e = jax.random.normal(ks[2], (EDGE_FEATURES, edge_in), dtype=jnp.float32) * (1.0 / np.sqrt(edge_in))
    ln_g = jnp.ones((EDGE_FEATURES,), dtype=jnp.float32)
    ln_b = jnp.zeros((EDGE_FEATURES,), dtype=jnp.float32)
    return {"X": X, "mask": mask, "R_idx": R_idx, "chain_labels": chain_labels,
            "W_pos": W_pos, "b_pos": b_pos, "W_e": W_e, "ln_g": ln_g, "ln_b": ln_b}


def reference(X, mask, R_idx, chain_labels, W_pos, b_pos, W_e, ln_g, ln_b):
    Ca = X[:, :, 1, :]
    N = X[:, :, 0, :]
    C = X[:, :, 2, :]
    O = X[:, :, 3, :]
    b = Ca - N
    c = C - Ca
    a = jnp.cross(b, c, axis=-1)
    Cb = -0.58273431 * a + 0.56802827 * b - 0.54067466 * c + Ca
    D_neighbors, E_idx = _dist(Ca, mask)
    RBF_all = [_rbf(D_neighbors)]
    pairs = [(N, N), (C, C), (O, O), (Cb, Cb), (Ca, N), (Ca, C), (Ca, O), (Ca, Cb),
             (N, C), (N, O), (N, Cb), (Cb, C), (Cb, O), (O, C), (N, Ca), (C, Ca),
             (O, Ca), (Cb, Ca), (C, N), (O, N), (Cb, N), (C, Cb), (O, Cb), (C, O)]
    for A_, B_ in pairs:
        RBF_all.append(_get_rbf(A_, B_, E_idx))
    RBF_all = jnp.concatenate(RBF_all, axis=-1)
    offset = R_idx[:, :, None] - R_idx[:, None, :]
    offset = gather_edges(offset[..., None], E_idx)[..., 0]
    d_chains = (chain_labels[:, :, None] - chain_labels[:, None, :] == 0).astype(jnp.int32)
    E_chains = gather_edges(d_chains[..., None], E_idx)[..., 0]
    E_positional = _positional(offset, E_chains, W_pos, b_pos)
    E = jnp.concatenate((E_positional, RBF_all), -1)
    E = E @ W_e.T
    mu = jnp.mean(E, -1, keepdims=True)
    var = jnp.var(E, -1, keepdims=True)
    E = (E - mu) / jnp.sqrt(var + 1e-5) * ln_g + ln_b
    return E, E_idx

if __name__ == "__main__":
    import jax
    _d = setup_inputs()
    print(jax.jit(kernel)(*tuple(_d.values())))

</pallas_src>

<mosaic_0001>
#map = affine_map<(d0, d1) -> (0, 0)>
#map1 = affine_map<(d0, d1) -> (0)>
module attributes {stable_mosaic.version = 14 : i64} {
  func.func @k(%arg0: i32, %arg1: i32, %arg2: memref<2048x128xf32, #tpu.memory_space<hbm>>, %arg3: memref<61440xi32, #tpu.memory_space<hbm>>, %arg4: memref<61440x128xf32, #tpu.memory_space<hbm>>, %arg5: memref<1920xi32, #tpu.memory_space<vmem>>, %arg6: memref<240x128xf32, #tpu.memory_space<vmem>>, %arg7: memref<240x128xf32, #tpu.memory_space<vmem>>, %arg8: memref<240x128xf32, #tpu.memory_space<vmem>>, %arg9: memref<!tpu.dma_semaphore, #tpu.memory_space<semaphore_mem>>, %arg10: memref<!tpu.dma_semaphore, #tpu.memory_space<semaphore_mem>>, %arg11: memref<!tpu.dma_semaphore, #tpu.memory_space<semaphore_mem>>, %arg12: memref<!tpu.dma_semaphore, #tpu.memory_space<semaphore_mem>>, %arg13: memref<!tpu.dma_semaphore, #tpu.memory_space<semaphore_mem>>, %arg14: memref<!tpu.dma_semaphore, #tpu.memory_space<semaphore_mem>>) attributes {dimension_semantics = [#tpu.dimension_semantics<core_parallel>, #tpu.dimension_semantics<subcore_parallel>], iteration_bounds = array<i64: 2, 16>, scalar_prefetch = 0 : i64, scratch_operands = 10 : i64, tpu.core_type = #tpu.core_type<sc_vector_subcore>, window_params = [{transform_indices = #map}, {transform_indices = #map1}, {transform_indices = #map}]} {
    %mul3A = arith.constant 2 : i32
    %mul3A_0 = arith.muli %arg1, %mul3A : i32
    %add3A = arith.addi %mul3A_0, %arg0 : i32
    %mul3A_1 = arith.constant 1920 : i32
    %mul3A_2 = arith.muli %add3A, %mul3A_1 : i32
    "tpu.region"() ({
      %run_scoped3A = tpu.sem_alloc : memref<!tpu.dma_semaphore, #tpu.memory_space<semaphore_mem>>
      %dma_start3A_161 = tpu.memref_slice %arg3[%mul3A_2] : memref<61440xi32, #tpu.memory_space<hbm>> -> memref<1920xi32, #tpu.memory_space<hbm>>
      %dma_start3A_162 = tpu.memref_slice %arg3[%mul3A_2] : memref<61440xi32, #tpu.memory_space<hbm>> -> memref<1920xi32, #tpu.memory_space<hbm>>
      tpu.enqueue_dma source(%dma_start3A_162 : memref<1920xi32, #tpu.memory_space<hbm>>) target(%arg5 : memref<1920xi32, #tpu.memory_space<vmem>>) target_semaphore(%run_scoped3A : memref<!tpu.dma_semaphore, #tpu.memory_space<semaphore_mem>>)
      %dma_wait3A_163 = tpu.memref_slice %arg3[%mul3A_2] : memref<61440xi32, #tpu.memory_space<hbm>> -> memref<1920xi32, #tpu.memory_space<hbm>>
      %dma_wait3A_164 = tpu.memref_slice %arg3[%mul3A_2] : memref<61440xi32, #tpu.memory_space<hbm>> -> memref<1920xi32, #tpu.memory_space<hbm>>
      tpu.wait_dma2 semaphore(%run_scoped3A : memref<!tpu.dma_semaphore, #tpu.memory_space<semaphore_mem>>) src(%dma_wait3A_164 : memref<1920xi32, #tpu.memory_space<hbm>>) dst(%arg5 : memref<1920xi32, #tpu.memory_space<vmem>>)
      tpu.yield
    }) : () -> ()
    %dma_start3A = arith.constant 0 : i32
    %dma_start3A_3 = tpu.memref_slice %arg5[%dma_start3A] : memref<1920xi32, #tpu.memory_space<vmem>> -> memref<240xi32, #tpu.memory_space<vmem>>
    %dma_start3A_4 = arith.constant 0 : i32
    %dma_start3A_5 = arith.constant 0 : i32
    %dma_start3A_6 = tpu.memref_slice %arg2[%dma_start3A_4, %dma_start3A_5] : memref<2048x128xf32, #tpu.memory_space<hbm>> -> memref<2048x128xf32, #tpu.memory_space<hbm>>
    tpu.enqueue_indirect_dma source(%dma_start3A_6 : memref<2048x128xf32, #tpu.memory_space<hbm>>) target(%arg6 : memref<240x128xf32, #tpu.memory_space<vmem>>) offsets(%dma_start3A_3 : memref<240xi32, #tpu.memory_space<vmem>>) semaphore(%arg9 : memref<!tpu.dma_semaphore, #tpu.memory_space<semaphore_mem>>)
    %dma_start3A_7 = arith.constant 240 : i32
    %dma_start3A_8 = tpu.memref_slice %arg5[%dma_start3A_7] : memref<1920xi32, #tpu.memory_space<vmem>> -> memref<240xi32, #tpu.memory_space<vmem>>
    %dma_start3A_9 = arith.constant 0 : i32
    %dma_start3A_10 = arith.constant 0 : i32
    %dma_start3A_11 = tpu.memref_slice %arg2[%dma_start3A_9, %dma_start3A_10] : memref<2048x128xf32, #tpu.memory_space<hbm>> -> memref<2048x128xf32, #tpu.memory_space<hbm>>
    tpu.enqueue_indirect_dma source(%dma_start3A_11 : memref<2048x128xf32, #tpu.memory_space<hbm>>) target(%arg7 : memref<240x128xf32, #tpu.memory_space<vmem>>) offsets(%dma_start3A_8 : memref<240xi32, #tpu.memory_space<vmem>>) semaphore(%arg10 : memref<!tpu.dma_semaphore, #tpu.memory_space<semaphore_mem>>)
    %dma_start3A_12 = arith.constant 480 : i32
    %dma_start3A_13 = tpu.memref_slice %arg5[%dma_start3A_12] : memref<1920xi32, #tpu.memory_space<vmem>> -> memref<240xi32, #tpu.memory_space<vmem>>
    %dma_start3A_14 = arith.constant 0 : i32
    %dma_start3A_15 = arith.constant 0 : i32
    %dma_start3A_16 = tpu.memref_slice %arg2[%dma_start3A_14, %dma_start3A_15] : memref<2048x128xf32, #tpu.memory_space<hbm>> -> memref<2048x128xf32, #tpu.memory_space<hbm>>
    tpu.enqueue_indirect_dma source(%dma_start3A_16 : memref<2048x128xf32, #tpu.memory_space<hbm>>) target(%arg8 : memref<240x128xf32, #tpu.memory_space<vmem>>) offsets(%dma_start3A_13 : memref<240xi32, #tpu.memory_space<vmem>>) semaphore(%arg11 : memref<!tpu.dma_semaphore, #tpu.memory_space<semaphore_mem>>)
    %dma_wait3A = arith.constant 0 : i32
    %dma_wait3A_17 = tpu.memref_slice %arg5[%dma_wait3A] : memref<1920xi32, #tpu.memory_space<vmem>> -> memref<240xi32, #tpu.memory_space<vmem>>
    %dma_wait3A_18 = arith.constant 0 : i32
    %dma_wait3A_19 = arith.constant 0 : i32
    %dma_wait3A_20 = tpu.memref_slice %arg2[%dma_wait3A_18, %dma_wait3A_19] : memref<2048x128xf32, #tpu.memory_space<hbm>> -> memref<2048x128xf32, #tpu.memory_space<hbm>>
    tpu.wait_indirect_dma semaphore(%arg9 : memref<!tpu.dma_semaphore, #tpu.memory_space<semaphore_mem>>) src(%dma_wait3A_20 : memref<2048x128xf32, #tpu.memory_space<hbm>>) dst(%arg6 : memref<240x128xf32, #tpu.memory_space<vmem>>)
    %add3A_21 = arith.constant 0 : i32
    %add3A_22 = arith.addi %mul3A_2, %add3A_21 : i32
    %dma_start3A_23 = arith.constant 0 : i32
    %dma_start3A_24 = tpu.memref_slice %arg4[%add3A_22, %dma_start3A_23] : memref<61440x128xf32, #tpu.memory_space<hbm>> -> memref<240x128xf32, #tpu.memory_space<hbm>>
    %dma_start3A_25 = arith.constant 0 : i32
    %dma_start3A_26 = tpu.memref_slice %arg4[%add3A_22, %dma_start3A_25] : memref<61440x128xf32, #tpu.memory_space<hbm>> -> memref<240x128xf32, #tpu.memory_space<hbm>>
    tpu.enqueue_dma source(%arg6 : memref<240x128xf32, #tpu.memory_space<vmem>>) target(%dma_start3A_26 : memref<240x128xf32, #tpu.memory_space<hbm>>) target_semaphore(%arg12 : memref<!tpu.dma_semaphore, #tpu.memory_space<semaphore_mem>>)
    %dma_wait3A_27 = arith.constant 0 : i32
    %dma_wait3A_28 = tpu.memref_slice %arg4[%add3A_22, %dma_wait3A_27] : memref<61440x128xf32, #tpu.memory_space<hbm>> -> memref<240x128xf32, #tpu.memory_space<hbm>>
    %dma_wait3A_29 = arith.constant 0 : i32
    %dma_wait3A_30 = tpu.memref_slice %arg4[%add3A_22, %dma_wait3A_29] : memref<61440x128xf32, #tpu.memory_space<hbm>> -> memref<240x128xf32, #tpu.memory_space<hbm>>
    tpu.wait_dma2 semaphore(%arg12 : memref<!tpu.dma_semaphore, #tpu.memory_space<semaphore_mem>>) src(%arg6 : memref<240x128xf32, #tpu.memory_space<vmem>>) dst(%dma_wait3A_30 : memref<240x128xf32, #tpu.memory_space<hbm>>)
    %dma_start3A_31 = arith.constant 720 : i32
    %dma_start3A_32 = tpu.memref_slice %arg5[%dma_start3A_31] : memref<1920xi32, #tpu.memory_space<vmem>> -> memref<240xi32, #tpu.memory_space<vmem>>
    %dma_start3A_33 = arith.constant 0 : i32
    %dma_start3A_34 = arith.constant 0 : i32
    %dma_start3A_35 = tpu.memref_slice %arg2[%dma_start3A_33, %dma_start3A_34] : memref<2048x128xf32, #tpu.memory_space<hbm>> -> memref<2048x128xf32, #tpu.memory_space<hbm>>
    tpu.enqueue_indirect_dma source(%dma_start3A_35 : memref<2048x128xf32, #tpu.memory_space<hbm>>) target(%arg6 : memref<240x128xf32, #tpu.memory_space<vmem>>) offsets(%dma_start3A_32 : memref<240xi32, #tpu.memory_space<vmem>>) semaphore(%arg9 : memref<!tpu.dma_semaphore, #tpu.memory_space<semaphore_mem>>)
    %dma_wait3A_36 = arith.constant 240 : i32
    %dma_wait3A_37 = tpu.memref_slice %arg5[%dma_wait3A_36] : memref<1920xi32, #tpu.memory_space<vmem>> -> memref<240xi32, #tpu.memory_space<vmem>>
    %dma_wait3A_38 = arith.constant 0 : i32
    %dma_wait3A_39 = arith.constant 0 : i32
    %dma_wait3A_40 = tpu.memref_slice %arg2[%dma_wait3A_38, %dma_wait3A_39] : memref<2048x128xf32, #tpu.memory_space<hbm>> -> memref<2048x128xf32, #tpu.memory_space<hbm>>
    tpu.wait_indirect_dma semaphore(%arg10 : memref<!tpu.dma_semaphore, #tpu.memory_space<semaphore_mem>>) src(%dma_wait3A_40 : memref<2048x128xf32, #tpu.memory_space<hbm>>) dst(%arg7 : memref<240x128xf32, #tpu.memory_space<vmem>>)
    %add3A_41 = arith.constant 240 : i32
    %add3A_42 = arith.addi %mul3A_2, %add3A_41 : i32
    %dma_start3A_43 = arith.constant 0 : i32
    %dma_start3A_44 = tpu.memref_slice %arg4[%add3A_42, %dma_start3A_43] : memref<61440x128xf32, #tpu.memory_space<hbm>> -> memref<240x128xf32, #tpu.memory_space<hbm>>
    %dma_start3A_45 = arith.constant 0 : i32
    %dma_start3A_46 = tpu.memref_slice %arg4[%add3A_42, %dma_start3A_45] : memref<61440x128xf32, #tpu.memory_space<hbm>> -> memref<240x128xf32, #tpu.memory_space<hbm>>
    tpu.enqueue_dma source(%arg7 : memref<240x128xf32, #tpu.memory_space<vmem>>) target(%dma_start3A_46 : memref<240x128xf32, #tpu.memory_space<hbm>>) target_semaphore(%arg13 : memref<!tpu.dma_semaphore, #tpu.memory_space<semaphore_mem>>)
    %dma_wait3A_47 = arith.constant 0 : i32
    %dma_wait3A_48 = tpu.memref_slice %arg4[%add3A_42, %dma_wait3A_47] : memref<61440x128xf32, #tpu.memory_space<hbm>> -> memref<240x128xf32, #tpu.memory_space<hbm>>
    %dma_wait3A_49 = arith.constant 0 : i32
    %dma_wait3A_50 = tpu.memref_slice %arg4[%add3A_42, %dma_wait3A_49] : memref<61440x128xf32, #tpu.memory_space<hbm>> -> memref<240x128xf32, #tpu.memory_space<hbm>>
    tpu.wait_dma2 semaphore(%arg13 : memref<!tpu.dma_semaphore, #tpu.memory_space<semaphore_mem>>) src(%arg7 : memref<240x128xf32, #tpu.memory_space<vmem>>) dst(%dma_wait3A_50 : memref<240x128xf32, #tpu.memory_space<hbm>>)
    %dma_start3A_51 = arith.constant 960 : i32
    %dma_start3A_52 = tpu.memref_slice %arg5[%dma_start3A_51] : memref<1920xi32, #tpu.memory_space<vmem>> -> memref<240xi32, #tpu.memory_space<vmem>>
    %dma_start3A_53 = arith.constant 0 : i32
    %dma_start3A_54 = arith.constant 0 : i32
    %dma_start3A_55 = tpu.memref_slice %arg2[%dma_start3A_53, %dma_start3A_54] : memref<2048x128xf32, #tpu.memory_space<hbm>> -> memref<2048x128xf32, #tpu.memory_space<hbm>>
    tpu.enqueue_indirect_dma source(%dma_start3A_55 : memref<2048x128xf32, #tpu.memory_space<hbm>>) target(%arg7 : memref<240x128xf32, #tpu.memory_space<vmem>>) offsets(%dma_start3A_52 : memref<240xi32, #tpu.memory_space<vmem>>) semaphore(%arg10 : memref<!tpu.dma_semaphore, #tpu.memory_space<semaphore_mem>>)
    %dma_wait3A_56 = arith.constant 480 : i32
    %dma_wait3A_57 = tpu.memref_slice %arg5[%dma_wait3A_56] : memref<1920xi32, #tpu.memory_space<vmem>> -> memref<240xi32, #tpu.memory_space<vmem>>
    %dma_wait3A_58 = arith.constant 0 : i32
    %dma_wait3A_59 = arith.constant 0 : i32
    %dma_wait3A_60 = tpu.memref_slice %arg2[%dma_wait3A_58, %dma_wait3A_59] : memref<2048x128xf32, #tpu.memory_space<hbm>> -> memref<2048x128xf32, #tpu.memory_space<hbm>>
    tpu.wait_indirect_dma semaphore(%arg11 : memref<!tpu.dma_semaphore, #tpu.memory_space<semaphore_mem>>) src(%dma_wait3A_60 : memref<2048x128xf32, #tpu.memory_space<hbm>>) dst(%arg8 : memref<240x128xf32, #tpu.memory_space<vmem>>)
    %add3A_61 = arith.constant 480 : i32
    %add3A_62 = arith.addi %mul3A_2, %add3A_61 : i32
    %dma_start3A_63 = arith.constant 0 : i32
    %dma_start3A_64 = tpu.memref_slice %arg4[%add3A_62, %dma_start3A_63] : memref<61440x128xf32, #tpu.memory_space<hbm>> -> memref<240x128xf32, #tpu.memory_space<hbm>>
    %dma_start3A_65 = arith.constant 0 : i32
    %dma_start3A_66 = tpu.memref_slice %arg4[%add3A_62, %dma_start3A_65] : memref<61440x128xf32, #tpu.memory_space<hbm>> -> memref<240x128xf32, #tpu.memory_space<hbm>>
    tpu.enqueue_dma source(%arg8 : memref<240x128xf32, #tpu.memory_space<vmem>>) target(%dma_start3A_66 : memref<240x128xf32, #tpu.memory_space<hbm>>) target_semaphore(%arg14 : memref<!tpu.dma_semaphore, #tpu.memory_space<semaphore_mem>>)
    %dma_wait3A_67 = arith.constant 0 : i32
    %dma_wait3A_68 = tpu.memref_slice %arg4[%add3A_62, %dma_wait3A_67] : memref<61440x128xf32, #tpu.memory_space<hbm>> -> memref<240x128xf32, #tpu.memory_space<hbm>>
    %dma_wait3A_69 = arith.constant 0 : i32
    %dma_wait3A_70 = tpu.memref_slice %arg4[%add3A_62, %dma_wait3A_69] : memref<61440x128xf32, #tpu.memory_space<hbm>> -> memref<240x128xf32, #tpu.memory_space<hbm>>
    tpu.wait_dma2 semaphore(%arg14 : memref<!tpu.dma_semaphore, #tpu.memory_space<semaphore_mem>>) src(%arg8 : memref<240x128xf32, #tpu.memory_space<vmem>>) dst(%dma_wait3A_70 : memref<240x128xf32, #tpu.memory_space<hbm>>)
    %dma_start3A_71 = arith.constant 1200 : i32
    %dma_start3A_72 = tpu.memref_slice %arg5[%dma_start3A_71] : memref<1920xi32, #tpu.memory_space<vmem>> -> memref<240xi32, #tpu.memory_space<vmem>>
    %dma_start3A_73 = arith.constant 0 : i32
    %dma_start3A_74 = arith.constant 0 : i32
    %dma_start3A_75 = tpu.memref_slice %arg2[%dma_start3A_73, %dma_start3A_74] : memref<2048x128xf32, #tpu.memory_space<hbm>> -> memref<2048x128xf32, #tpu.memory_space<hbm>>
    tpu.enqueue_indirect_dma source(%dma_start3A_75 : memref<2048x128xf32, #tpu.memory_space<hbm>>) target(%arg8 : memref<240x128xf32, #tpu.memory_space<vmem>>) offsets(%dma_start3A_72 : memref<240xi32, #tpu.memory_space<vmem>>) semaphore(%arg11 : memref<!tpu.dma_semaphore, #tpu.memory_space<semaphore_mem>>)
    %dma_wait3A_76 = arith.constant 720 : i32
    %dma_wait3A_77 = tpu.memref_slice %arg5[%dma_wait3A_76] : memref<1920xi32, #tpu.memory_space<vmem>> -> memref<240xi32, #tpu.memory_space<vmem>>
    %dma_wait3A_78 = arith.constant 0 : i32
    %dma_wait3A_79 = arith.constant 0 : i32
    %dma_wait3A_80 = tpu.memref_slice %arg2[%dma_wait3A_78, %dma_wait3A_79] : memref<2048x128xf32, #tpu.memory_space<hbm>> -> memref<2048x128xf32, #tpu.memory_space<hbm>>
    tpu.wait_indirect_dma semaphore(%arg9 : memref<!tpu.dma_semaphore, #tpu.memory_space<semaphore_mem>>) src(%dma_wait3A_80 : memref<2048x128xf32, #tpu.memory_space<hbm>>) dst(%arg6 : memref<240x128xf32, #tpu.memory_space<vmem>>)
    %add3A_81 = arith.constant 720 : i32
    %add3A_82 = arith.addi %mul3A_2, %add3A_81 : i32
    %dma_start3A_83 = arith.constant 0 : i32
    %dma_start3A_84 = tpu.memref_slice %arg4[%add3A_82, %dma_start3A_83] : memref<61440x128xf32, #tpu.memory_space<hbm>> -> memref<240x128xf32, #tpu.memory_space<hbm>>
    %dma_start3A_85 = arith.constant 0 : i32
    %dma_start3A_86 = tpu.memref_slice %arg4[%add3A_82, %dma_start3A_85] : memref<61440x128xf32, #tpu.memory_space<hbm>> -> memref<240x128xf32, #tpu.memory_space<hbm>>
    tpu.enqueue_dma source(%arg6 : memref<240x128xf32, #tpu.memory_space<vmem>>) target(%dma_start3A_86 : memref<240x128xf32, #tpu.memory_space<hbm>>) target_semaphore(%arg12 : memref<!tpu.dma_semaphore, #tpu.memory_space<semaphore_mem>>)
    %dma_wait3A_87 = arith.constant 0 : i32
    %dma_wait3A_88 = tpu.memref_slice %arg4[%add3A_82, %dma_wait3A_87] : memref<61440x128xf32, #tpu.memory_space<hbm>> -> memref<240x128xf32, #tpu.memory_space<hbm>>
    %dma_wait3A_89 = arith.constant 0 : i32
    %dma_wait3A_90 = tpu.memref_slice %arg4[%add3A_82, %dma_wait3A_89] : memref<61440x128xf32, #tpu.memory_space<hbm>> -> memref<240x128xf32, #tpu.memory_space<hbm>>
    tpu.wait_dma2 semaphore(%arg12 : memref<!tpu.dma_semaphore, #tpu.memory_space<semaphore_mem>>) src(%arg6 : memref<240x128xf32, #tpu.memory_space<vmem>>) dst(%dma_wait3A_90 : memref<240x128xf32, #tpu.memory_space<hbm>>)
    %dma_start3A_91 = arith.constant 1440 : i32
    %dma_start3A_92 = tpu.memref_slice %arg5[%dma_start3A_91] : memref<1920xi32, #tpu.memory_space<vmem>> -> memref<240xi32, #tpu.memory_space<vmem>>
    %dma_start3A_93 = arith.constant 0 : i32
    %dma_start3A_94 = arith.constant 0 : i32
    %dma_start3A_95 = tpu.memref_slice %arg2[%dma_start3A_93, %dma_start3A_94] : memref<2048x128xf32, #tpu.memory_space<hbm>> -> memref<2048x128xf32, #tpu.memory_space<hbm>>
    tpu.enqueue_indirect_dma source(%dma_start3A_95 : memref<2048x128xf32, #tpu.memory_space<hbm>>) target(%arg6 : memref<240x128xf32, #tpu.memory_space<vmem>>) offsets(%dma_start3A_92 : memref<240xi32, #tpu.memory_space<vmem>>) semaphore(%arg9 : memref<!tpu.dma_semaphore, #tpu.memory_space<semaphore_mem>>)
    %dma_wait3A_96 = arith.constant 960 : i32
    %dma_wait3A_97 = tpu.memref_slice %arg5[%dma_wait3A_96] : memref<1920xi32, #tpu.memory_space<vmem>> -> memref<240xi32, #tpu.memory_space<vmem>>
    %dma_wait3A_98 = arith.constant 0 : i32
    %dma_wait3A_99 = arith.constant 0 : i32
    %dma_wait3A_100 = tpu.memref_slice %arg2[%dma_wait3A_98, %dma_wait3A_99] : memref<2048x128xf32, #tpu.memory_space<hbm>> -> memref<2048x128xf32, #tpu.memory_space<hbm>>
    tpu.wait_indirect_dma semaphore(%arg10 : memref<!tpu.dma_semaphore, #tpu.memory_space<semaphore_mem>>) src(%dma_wait3A_100 : memref<2048x128xf32, #tpu.memory_space<hbm>>) dst(%arg7 : memref<240x128xf32, #tpu.memory_space<vmem>>)
    %add3A_101 = arith.constant 960 : i32
    %add3A_102 = arith.addi %mul3A_2, %add3A_101 : i32
    %dma_start3A_103 = arith.constant 0 : i32
    %dma_start3A_104 = tpu.memref_slice %arg4[%add3A_102, %dma_start3A_103] : memref<61440x128xf32, #tpu.memory_space<hbm>> -> memref<240x128xf32, #tpu.memory_space<hbm>>
    %dma_start3A_105 = arith.constant 0 : i32
    %dma_start3A_106 = tpu.memref_slice %arg4[%add3A_102, %dma_start3A_105] : memref<61440x128xf32, #tpu.memory_space<hbm>> -> memref<240x128xf32, #tpu.memory_space<hbm>>
    tpu.enqueue_dma source(%arg7 : memref<240x128xf32, #tpu.memory_space<vmem>>) target(%dma_start3A_106 : memref<240x128xf32, #tpu.memory_space<hbm>>) target_semaphore(%arg13 : memref<!tpu.dma_semaphore, #tpu.memory_space<semaphore_mem>>)
    %dma_wait3A_107 = arith.constant 0 : i32
    %dma_wait3A_108 = tpu.memref_slice %arg4[%add3A_102, %dma_wait3A_107] : memref<61440x128xf32, #tpu.memory_space<hbm>> -> memref<240x128xf32, #tpu.memory_space<hbm>>
    %dma_wait3A_109 = arith.constant 0 : i32
    %dma_wait3A_110 = tpu.memref_slice %arg4[%add3A_102, %dma_wait3A_109] : memref<61440x128xf32, #tpu.memory_space<hbm>> -> memref<240x128xf32, #tpu.memory_space<hbm>>
    tpu.wait_dma2 semaphore(%arg13 : memref<!tpu.dma_semaphore, #tpu.memory_space<semaphore_mem>>) src(%arg7 : memref<240x128xf32, #tpu.memory_space<vmem>>) dst(%dma_wait3A_110 : memref<240x128xf32, #tpu.memory_space<hbm>>)
    %dma_start3A_111 = arith.constant 1680 : i32
    %dma_start3A_112 = tpu.memref_slice %arg5[%dma_start3A_111] : memref<1920xi32, #tpu.memory_space<vmem>> -> memref<240xi32, #tpu.memory_space<vmem>>
    %dma_start3A_113 = arith.constant 0 : i32
    %dma_start3A_114 = arith.constant 0 : i32
    %dma_start3A_115 = tpu.memref_slice %arg2[%dma_start3A_113, %dma_start3A_114] : memref<2048x128xf32, #tpu.memory_space<hbm>> -> memref<2048x128xf32, #tpu.memory_space<hbm>>
    tpu.enqueue_indirect_dma source(%dma_start3A_115 : memref<2048x128xf32, #tpu.memory_space<hbm>>) target(%arg7 : memref<240x128xf32, #tpu.memory_space<vmem>>) offsets(%dma_start3A_112 : memref<240xi32, #tpu.memory_space<vmem>>) semaphore(%arg10 : memref<!tpu.dma_semaphore, #tpu.memory_space<semaphore_mem>>)
    %dma_wait3A_116 = arith.constant 1200 : i32
    %dma_wait3A_117 = tpu.memref_slice %arg5[%dma_wait3A_116] : memref<1920xi32, #tpu.memory_space<vmem>> -> memref<240xi32, #tpu.memory_space<vmem>>
    %dma_wait3A_118 = arith.constant 0 : i32
    %dma_wait3A_119 = arith.constant 0 : i32
    %dma_wait3A_120 = tpu.memref_slice %arg2[%dma_wait3A_118, %dma_wait3A_119] : memref<2048x128xf32, #tpu.memory_space<hbm>> -> memref<2048x128xf32, #tpu.memory_space<hbm>>
    tpu.wait_indirect_dma semaphore(%arg11 : memref<!tpu.dma_semaphore, #tpu.memory_space<semaphore_mem>>) src(%dma_wait3A_120 : memref<2048x128xf32, #tpu.memory_space<hbm>>) dst(%arg8 : memref<240x128xf32, #tpu.memory_space<vmem>>)
    %add3A_121 = arith.constant 1200 : i32
    %add3A_122 = arith.addi %mul3A_2, %add3A_121 : i32
    %dma_start3A_123 = arith.constant 0 : i32
    %dma_start3A_124 = tpu.memref_slice %arg4[%add3A_122, %dma_start3A_123] : memref<61440x128xf32, #tpu.memory_space<hbm>> -> memref<240x128xf32, #tpu.memory_space<hbm>>
    %dma_start3A_125 = arith.constant 0 : i32
    %dma_start3A_126 = tpu.memref_slice %arg4[%add3A_122, %dma_start3A_125] : memref<61440x128xf32, #tpu.memory_space<hbm>> -> memref<240x128xf32, #tpu.memory_space<hbm>>
    tpu.enqueue_dma source(%arg8 : memref<240x128xf32, #tpu.memory_space<vmem>>) target(%dma_start3A_126 : memref<240x128xf32, #tpu.memory_space<hbm>>) target_semaphore(%arg14 : memref<!tpu.dma_semaphore, #tpu.memory_space<semaphore_mem>>)
    %dma_wait3A_127 = arith.constant 1440 : i32
    %dma_wait3A_128 = tpu.memref_slice %arg5[%dma_wait3A_127] : memref<1920xi32, #tpu.memory_space<vmem>> -> memref<240xi32, #tpu.memory_space<vmem>>
    %dma_wait3A_129 = arith.constant 0 : i32
    %dma_wait3A_130 = arith.constant 0 : i32
    %dma_wait3A_131 = tpu.memref_slice %arg2[%dma_wait3A_129, %dma_wait3A_130] : memref<2048x128xf32, #tpu.memory_space<hbm>> -> memref<2048x128xf32, #tpu.memory_space<hbm>>
    tpu.wait_indirect_dma semaphore(%arg9 : memref<!tpu.dma_semaphore, #tpu.memory_space<semaphore_mem>>) src(%dma_wait3A_131 : memref<2048x128xf32, #tpu.memory_space<hbm>>) dst(%arg6 : memref<240x128xf32, #tpu.memory_space<vmem>>)
    %add3A_132 = arith.constant 1440 : i32
    %add3A_133 = arith.addi %mul3A_2, %add3A_132 : i32
    %dma_start3A_134 = arith.constant 0 : i32
    %dma_start3A_135 = tpu.memref_slice %arg4[%add3A_133, %dma_start3A_134] : memref<61440x128xf32, #tpu.memory_space<hbm>> -> memref<240x128xf32, #tpu.memory_space<hbm>>
    %dma_start3A_136 = arith.constant 0 : i32
    %dma_start3A_137 = tpu.memref_slice %arg4[%add3A_133, %dma_start3A_136] : memref<61440x128xf32, #tpu.memory_space<hbm>> -> memref<240x128xf32, #tpu.memory_space<hbm>>
    tpu.enqueue_dma source(%arg6 : memref<240x128xf32, #tpu.memory_space<vmem>>) target(%dma_start3A_137 : memref<240x128xf32, #tpu.memory_space<hbm>>) target_semaphore(%arg12 : memref<!tpu.dma_semaphore, #tpu.memory_space<semaphore_mem>>)
    %dma_wait3A_138 = arith.constant 1680 : i32
    %dma_wait3A_139 = tpu.memref_slice %arg5[%dma_wait3A_138] : memref<1920xi32, #tpu.memory_space<vmem>> -> memref<240xi32, #tpu.memory_space<vmem>>
    %dma_wait3A_140 = arith.constant 0 : i32
    %dma_wait3A_141 = arith.constant 0 : i32
    %dma_wait3A_142 = tpu.memref_slice %arg2[%dma_wait3A_140, %dma_wait3A_141] : memref<2048x128xf32, #tpu.memory_space<hbm>> -> memref<2048x128xf32, #tpu.memory_space<hbm>>
    tpu.wait_indirect_dma semaphore(%arg10 : memref<!tpu.dma_semaphore, #tpu.memory_space<semaphore_mem>>) src(%dma_wait3A_142 : memref<2048x128xf32, #tpu.memory_space<hbm>>) dst(%arg7 : memref<240x128xf32, #tpu.memory_space<vmem>>)
    %add3A_143 = arith.constant 1680 : i32
    %add3A_144 = arith.addi %mul3A_2, %add3A_143 : i32
    %dma_start3A_145 = arith.constant 0 : i32
    %dma_start3A_146 = tpu.memref_slice %arg4[%add3A_144, %dma_start3A_145] : memref<61440x128xf32, #tpu.memory_space<hbm>> -> memref<240x128xf32, #tpu.memory_space<hbm>>
    %dma_start3A_147 = arith.constant 0 : i32
    %dma_start3A_148 = tpu.memref_slice %arg4[%add3A_144, %dma_start3A_147] : memref<61440x128xf32, #tpu.memory_space<hbm>> -> memref<240x128xf32, #tpu.memory_space<hbm>>
    tpu.enqueue_dma source(%arg7 : memref<240x128xf32, #tpu.memory_space<vmem>>) target(%dma_start3A_148 : memref<240x128xf32, #tpu.memory_space<hbm>>) target_semaphore(%arg13 : memref<!tpu.dma_semaphore, #tpu.memory_space<semaphore_mem>>)
    %dma_wait3A_149 = arith.constant 0 : i32
    %dma_wait3A_150 = tpu.memref_slice %arg4[%add3A_122, %dma_wait3A_149] : memref<61440x128xf32, #tpu.memory_space<hbm>> -> memref<240x128xf32, #tpu.memory_space<hbm>>
    %dma_wait3A_151 = arith.constant 0 : i32
    %dma_wait3A_152 = tpu.memref_slice %arg4[%add3A_122, %dma_wait3A_151] : memref<61440x128xf32, #tpu.memory_space<hbm>> -> memref<240x128xf32, #tpu.memory_space<hbm>>
    tpu.wait_dma2 semaphore(%arg14 : memref<!tpu.dma_semaphore, #tpu.memory_space<semaphore_mem>>) src(%arg8 : memref<240x128xf32, #tpu.memory_space<vmem>>) dst(%dma_wait3A_152 : memref<240x128xf32, #tpu.memory_space<hbm>>)
    %dma_wait3A_153 = arith.constant 0 : i32
    %dma_wait3A_154 = tpu.memref_slice %arg4[%add3A_133, %dma_wait3A_153] : memref<61440x128xf32, #tpu.memory_space<hbm>> -> memref<240x128xf32, #tpu.memory_space<hbm>>
    %dma_wait3A_155 = arith.constant 0 : i32
    %dma_wait3A_156 = tpu.memref_slice %arg4[%add3A_133, %dma_wait3A_155] : memref<61440x128xf32, #tpu.memory_space<hbm>> -> memref<240x128xf32, #tpu.memory_space<hbm>>
    tpu.wait_dma2 semaphore(%arg12 : memref<!tpu.dma_semaphore, #tpu.memory_space<semaphore_mem>>) src(%arg6 : memref<240x128xf32, #tpu.memory_space<vmem>>) dst(%dma_wait3A_156 : memref<240x128xf32, #tpu.memory_space<hbm>>)
    %dma_wait3A_157 = arith.constant 0 : i32
    %dma_wait3A_158 = tpu.memref_slice %arg4[%add3A_144, %dma_wait3A_157] : memref<61440x128xf32, #tpu.memory_space<hbm>> -> memref<240x128xf32, #tpu.memory_space<hbm>>
    %dma_wait3A_159 = arith.constant 0 : i32
    %dma_wait3A_160 = tpu.memref_slice %arg4[%add3A_144, %dma_wait3A_159] : memref<61440x128xf32, #tpu.memory_space<hbm>> -> memref<240x128xf32, #tpu.memory_space<hbm>>
    tpu.wait_dma2 semaphore(%arg13 : memref<!tpu.dma_semaphore, #tpu.memory_space<semaphore_mem>>) src(%arg7 : memref<240x128xf32, #tpu.memory_space<vmem>>) dst(%dma_wait3A_160 : memref<240x128xf32, #tpu.memory_space<hbm>>)
    return
  }
}

module attributes {stable_mosaic.version = 14 : i64} {
  func.func @_k1_body(%arg0: i32, %arg1: i32, %arg2: memref<1x512x12xf32, #tpu.memory_space<vmem>>, %arg3: memref<1x3x128xf32, #tpu.memory_space<vmem>>, %arg4: memref<1x128x12xf32, #tpu.memory_space<vmem>>, %arg5: memref<1x512x1xf32, #tpu.memory_space<vmem>>, %arg6: memref<1x1x128xf32, #tpu.memory_space<vmem>>, %arg7: memref<1x128x1xi32, #tpu.memory_space<vmem>>, %arg8: memref<1x128x1xi32, #tpu.memory_space<vmem>>, %arg9: memref<1x128x30xf32, #tpu.memory_space<vmem>>, %arg10: memref<1x128x30xi32, #tpu.memory_space<vmem>>, %arg11: memref<1x128x30xi32, #tpu.memory_space<vmem>>, %arg12: memref<1x128x128xf32, #tpu.memory_space<vmem>>) attributes {dimension_semantics = [#tpu.dimension_semantics<arbitrary>, #tpu.dimension_semantics<arbitrary>], iteration_bounds = array<i64: 4, 4>, scalar_prefetch = 0 : i64, scratch_operands = 0 : i64, tpu.core_type = #tpu.core_type<tc>, window_params = [{transform_indices = @transform_0, window_bounds = array<i64: 1, 512, 12>}, {transform_indices = @transform_1, window_bounds = array<i64: 1, 3, 128>}, {transform_indices = @transform_2, window_bounds = array<i64: 1, 128, 12>}, {transform_indices = @transform_3, window_bounds = array<i64: 1, 512, 1>}, {transform_indices = @transform_4, window_bounds = array<i64: 1, 1, 128>}, {transform_indices = @transform_5, window_bounds = array<i64: 1, 128, 1>}, {transform_indices = @transform_6, window_bounds = array<i64: 1, 128, 1>}, {transform_indices = @transform_7, window_bounds = array<i64: 1, 128, 30>}, {transform_indices = @transform_8, window_bounds = array<i64: 1, 128, 30>}, {transform_indices = @transform_9, window_bounds = array<i64: 1, 128, 30>}, {transform_indices = @transform_10, window_bounds = array<i64: 1, 128, 128>}]} {
    %get3A = arith.constant 0 : index
    %get3A_0 = arith.constant 0 : index
    %get3A_1 = arith.constant 0 : index
    %get3A_2 = vector.load %arg2[%get3A, %get3A_0, %get3A_1] : memref<1x512x12xf32, #tpu.memory_space<vmem>>, vector<1x512x12xf32>
    %get3A_3 = vector.shape_cast %get3A_2 : vector<1x512x12xf32> to vector<512x12xf32>
    %get3A_4 = arith.constant 0 : index
    %get3A_5 = arith.constant 0 : index
    %get3A_6 = arith.constant 0 : index
    %get3A_7 = vector.load %arg3[%get3A_4, %get3A_5, %get3A_6] : memref<1x3x128xf32, #tpu.memory_space<vmem>>, vector<1x3x128xf32>
    %get3A_8 = vector.shape_cast %get3A_7 : vector<1x3x128xf32> to vector<3x128xf32>
    %get3A_9 = arith.constant 0 : index
    %get3A_10 = arith.constant 0 : index
    %get3A_11 = arith.constant 0 : index
    %get3A_12 = vector.load %arg5[%get3A_9, %get3A_10, %get3A_11] : memref<1x512x1xf32, #tpu.memory_space<vmem>>, vector<1x512x1xf32>
    %get3A_13 = vector.shape_cast %get3A_12 : vector<1x512x1xf32> to vector<512x1xf32>
    %get3A_14 = arith.constant 0 : index
    %get3A_15 = arith.constant 0 : index
    %get3A_16 = arith.constant 0 : index
    %get3A_17 = vector.load %arg6[%get3A_14, %get3A_15, %get3A_16] : memref<1x1x128xf32, #tpu.memory_space<vmem>>, vector<1x1x128xf32>
    %get3A_18 = vector.shape_cast %get3A_17 : vector<1x1x128xf32> to vector<1x128xf32>
    %slice3A = vector.extract_strided_slice %get3A_3 {offsets = [0, 3], sizes = [512, 1], strides = [1, 1]} : vector<512x12xf32> to vector<512x1xf32>
    %slice3A_19 = vector.extract_strided_slice %get3A_8 {offsets = [0, 0], sizes = [1, 128], strides = [1, 1]} : vector<3x128xf32> to vector<1x128xf32>
    %sub3A = vector.broadcast %slice3A : vector<512x1xf32> to vector<512x128xf32>
    %sub3A_20 = vector.broadcast %slice3A_19 : vector<1x128xf32> to vector<512x128xf32>
    %sub3A_21 = arith.subf %sub3A, %sub3A_20 : vector<512x128xf32>
    %slice3A_22 = vector.extract_strided_slice %get3A_3 {offsets = [0, 4], sizes = [512, 1], strides = [1, 1]} : vector<512x12xf32> to vector<512x1xf32>
    %slice3A_23 = vector.extract_strided_slice %get3A_8 {offsets = [1, 0], sizes = [1, 128], strides = [1, 1]} : vector<3x128xf32> to vector<1x128xf32>
    %sub3A_24 = vector.broadcast %slice3A_22 : vector<512x1xf32> to vector<512x128xf32>
    %sub3A_25 = vector.broadcast %slice3A_23 : vector<1x128xf32> to vector<512x128xf32>
    %sub3A_26 = arith.subf %sub3A_24, %sub3A_25 : vector<512x128xf32>
    %slice3A_27 = vector.extract_strided_slice %get3A_3 {offsets = [0, 5], sizes = [512, 1], strides = [1, 1]} : vector<512x12xf32> to vector<512x1xf32>
    %slice3A_28 = vector.extract_strided_slice %get3A_8 {offsets = [2, 0], sizes = [1, 128], strides = [1, 1]} : vector<3x128xf32> to vector<1x128xf32>
    %sub3A_29 = vector.broadcast %slice3A_27 : vector<512x1xf32> to vector<512x128xf32>
    %sub3A_30 = vector.broadcast %slice3A_28 : vector<1x128xf32> to vector<512x128xf32>
    %sub3A_31 = arith.subf %sub3A_29, %sub3A_30 : vector<512x128xf32>
    %mul3A = vector.broadcast %get3A_13 : vector<512x1xf32> to vector<512x128xf32>
    %mul3A_32 = vector.broadcast %get3A_18 : vector<1x128xf32> to vector<512x128xf32>
    %mul3A_33 = arith.mulf %mul3A, %mul3A_32 : vector<512x128xf32>
    %mul3A_34 = arith.mulf %sub3A_21, %sub3A_21 : vector<512x128xf32>
    %mul3A_35 = arith.mulf %sub3A_26, %sub3A_26 : vector<512x128xf32>
    %add3A = arith.addf %mul3A_34, %mul3A_35 : vector<512x128xf32>
    %mul3A_36 = arith.mulf %sub3A_31, %sub3A_31 : vector<512x128xf32>
    %add3A_37 = arith.addf %add3A, %mul3A_36 : vector<512x128xf32>
    %add3A_38 = arith.constant 9.99999997E-7 : f32
    %add3A_39 = vector.broadcast %add3A_38 : f32 to vector<512x128xf32>
    %add3A_40 = arith.addf %add3A_37, %add3A_39 : vector<512x128xf32>
    %sqrt3A = math.sqrt %add3A_40 : vector<512x128xf32>
    %mul3A_41 = arith.mulf %mul3A_33, %sqrt3A : vector<512x128xf32>
    %reduce_max3A = arith.constant dense<0xFF800000> : vector<128xf32>
    %reduce_max3A_42 = vector.multi_reduction <maximumf>, %mul3A_41, %reduce_max3A [0] : vector<512x128xf32> to vector<128xf32>
    %broadcast_in_dim3A = vector.shape_cast %reduce_max3A_42 : vector<128xf32> to vector<1x128xf32>
    %sub3A_43 = arith.constant 1.000000e+00 : f32
    %sub3A_44 = vector.broadcast %sub3A_43 : f32 to vector<512x128xf32>
    %sub3A_45 = arith.subf %sub3A_44, %mul3A_33 : vector<512x128xf32>
    %mul3A_46 = vector.broadcast %broadcast_in_dim3A : vector<1x128xf32> to vector<512x128xf32>
    %mul3A_47 = arith.mulf %sub3A_45, %mul3A_46 : vector<512x128xf32>
    %add3A_48 = arith.addf %mul3A_41, %mul3A_47 : vector<512x128xf32>
    %iota3A = tpu.iota {dimensions = array<i32: 0>} : vector<512x128xi32>
    %iota3A_49 = tpu.iota {dimensions = array<i32: 0>} : vector<32x128xi32>
    %broadcast_in_dim3A_50 = arith.constant 0.000000e+00 : f32
    %broadcast_in_dim3A_51 = vector.broadcast %broadcast_in_dim3A_50 : f32 to vector<32x128xf32>
    %broadcast_in_dim3A_52 = arith.constant 0 : i32
    %broadcast_in_dim3A_53 = vector.broadcast %broadcast_in_dim3A_52 : i32 to vector<32x128xi32>
    %scan3A = arith.constant 3.000000e+38 : f32
    %scan3A_54 = arith.constant 0 : i32
    %scan3A_55 = arith.constant 30 : i32
    %scan3A_56 = arith.addi %scan3A_54, %scan3A_55 : i32
    %scan3A_57 = arith.constant 1 : i32
    %scan3A_58:3 = scf.for %scan3A_148 = %scan3A_54 to %scan3A_56 step %scan3A_57 iter_args(%scan3A_149 = %add3A_48, %scan3A_150 = %broadcast_in_dim3A_51, %scan3A_151 = %broadcast_in_dim3A_53) -> (vector<512x128xf32>, vector<32x128xf32>, vector<32x128xi32>)  : i32 {
      %reduce_min3A = arith.constant dense<0x7F800000> : vector<128xf32>
      %reduce_min3A_152 = vector.multi_reduction <minimumf>, %scan3A_149, %reduce_min3A [0] : vector<512x128xf32> to vector<128xf32>
      %broadcast_in_dim3A_153 = vector.shape_cast %reduce_min3A_152 : vector<128xf32> to vector<1x128xf32>
      %le3A = vector.broadcast %broadcast_in_dim3A_153 : vector<1x128xf32> to vector<512x128xf32>
      %le3A_154 = arith.cmpf ole, %scan3A_149, %le3A : vector<512x128xf32>
      %jit3A = arith.constant 512 : i32
      %broadcast_in_dim3A_155 = vector.broadcast %jit3A : i32 to vector<512x128xi32>
      %select_n3A = arith.select %le3A_154, %iota3A, %broadcast_in_dim3A_155 : vector<512x128xi1>, vector<512x128xi32>
      %reduce_min3A_156 = arith.constant dense<2147483647> : vector<128xi32>
      %reduce_min3A_157 = vector.multi_reduction <minsi>, %select_n3A, %reduce_min3A_156 [0] : vector<512x128xi32> to vector<128xi32>
      %broadcast_in_dim3A_158 = vector.shape_cast %reduce_min3A_157 : vector<128xi32> to vector<1x128xi32>
      %eq3A = vector.broadcast %broadcast_in_dim3A_158 : vector<1x128xi32> to vector<512x128xi32>
      %eq3A_159 = arith.cmpi eq, %iota3A, %eq3A : vector<512x128xi32>
      %broadcast_in_dim3A_160 = vector.broadcast %scan3A : f32 to vector<512x128xf32>
      %select_n3A_161 = arith.select %eq3A_159, %broadcast_in_dim3A_160, %scan3A_149 : vector<512x128xi1>, vector<512x128xf32>
      %eq3A_162 = vector.broadcast %scan3A_148 : i32 to vector<32x128xi32>
      %eq3A_163 = arith.cmpi eq, %iota3A_49, %eq3A_162 : vector<32x128xi32>
      %broadcast_in_dim3A_164 = vector.shape_cast %broadcast_in_dim3A_153 : vector<1x128xf32> to vector<1x128xf32>
      %broadcast_in_dim3A_165 = vector.broadcast %broadcast_in_dim3A_164 : vector<1x128xf32> to vector<32x128xf32>
      %select_n3A_166 = arith.select %eq3A_163, %broadcast_in_dim3A_165, %scan3A_150 : vector<32x128xi1>, vector<32x128xf32>
      %broadcast_in_dim3A_167 = vector.shape_cast %broadcast_in_dim3A_158 : vector<1x128xi32> to vector<1x128xi32>
      %broadcast_in_dim3A_168 = vector.broadcast %broadcast_in_dim3A_167 : vector<1x128xi32> to vector<32x128xi32>
      %select_n3A_169 = arith.select %eq3A_163, %broadcast_in_dim3A_168, %scan3A_151 : vector<32x128xi1>, vector<32x128xi32>
      scf.yield %select_n3A_161, %select_n3A_166, %select_n3A_169 : vector<512x128xf32>, vector<32x128xf32>, vector<32x128xi32>
    }
    %scan3A_59 = arith.constant 30 : i32
    %transpose3A = tpu.transpose %scan3A_58#1, [1, 0] : vector<32x128xf32> -> vector<128x32xf32>
    %slice3A_60 = vector.extract_strided_slice %transpose3A {offsets = [0, 0], sizes = [128, 30], strides = [1, 1]} : vector<128x32xf32> to vector<128x30xf32>
    %transpose3A_61 = tpu.transpose %scan3A_58#2, [1, 0] : vector<32x128xi32> -> vector<128x32xi32>
    %slice3A_62 = vector.extract_strided_slice %transpose3A_61 {offsets = [0, 0], sizes = [128, 30], strides = [1, 1]} : vector<128x32xi32> to vector<128x30xi32>
    %swap3A = arith.constant 0 : index
    %swap3A_63 = arith.constant 0 : index
    %swap3A_64 = arith.constant 0 : index
    %swap3A_65 = vector.load %arg9[%swap3A, %swap3A_63, %swap3A_64] : memref<1x128x30xf32, #tpu.memory_space<vmem>>, vector<1x128x30xf32>
    %swap3A_66 = vector.shape_cast %swap3A_65 : vector<1x128x30xf32> to vector<128x30xf32>
    %swap3A_67 = vector.shape_cast %slice3A_60 : vector<128x30xf32> to vector<1x128x30xf32>
    tpu.vector_store %arg9[%swap3A, %swap3A_63, %swap3A_64], %swap3A_67 {strides = array<i32>} : memref<1x128x30xf32, #tpu.memory_space<vmem>>, vector<1x128x30xf32>,
    %swap3A_68 = arith.constant 0 : index
    %swap3A_69 = arith.constant 0 : index
    %swap3A_70 = arith.constant 0 : index
    %swap3A_71 = vector.load %arg10[%swap3A_68, %swap3A_69, %swap3A_70] : memref<1x128x30xi32, #tpu.memory_space<vmem>>, vector<1x128x30xi32>
    %swap3A_72 = vector.shape_cast %swap3A_71 : vector<1x128x30xi32> to vector<128x30xi32>
    %swap3A_73 = vector.shape_cast %slice3A_62 : vector<128x30xi32> to vector<1x128x30xi32>
    tpu.vector_store %arg10[%swap3A_68, %swap3A_69, %swap3A_70], %swap3A_73 {strides = array<i32>} : memref<1x128x30xi32, #tpu.memory_space<vmem>>, vector<1x128x30xi32>,
    %mul3A_74 = arith.constant 512 : i32
    %mul3A_75 = arith.muli %arg0, %mul3A_74 : i32
    %add3A_76 = vector.broadcast %mul3A_75 : i32 to vector<128x30xi32>
    %add3A_77 = arith.addi %slice3A_62, %add3A_76 : vector<128x30xi32>
    %swap3A_78 = arith.constant 0 : index
    %swap3A_79 = arith.constant 0 : index
    %swap3A_80 = arith.constant 0 : index
    %swap3A_81 = vector.load %arg11[%swap3A_78, %swap3A_79, %swap3A_80] : memref<1x128x30xi32, #tpu.memory_space<vmem>>, vector<1x128x30xi32>
    %swap3A_82 = vector.shape_cast %swap3A_81 : vector<1x128x30xi32> to vector<128x30xi32>
    %swap3A_83 = vector.shape_cast %add3A_77 : vector<128x30xi32> to vector<1x128x30xi32>
    tpu.vector_store %arg11[%swap3A_78, %swap3A_79, %swap3A_80], %swap3A_83 {strides = array<i32>} : memref<1x128x30xi32, #tpu.memory_space<vmem>>, vector<1x128x30xi32>,
    %get3A_84 = arith.constant 0 : index
    %get3A_85 = arith.constant 0 : index
    %get3A_86 = arith.constant 0 : index
    %get3A_87 = vector.load %arg4[%get3A_84, %get3A_85, %get3A_86] : memref<1x128x12xf32, #tpu.memory_space<vmem>>, vector<1x128x12xf32>
    %get3A_88 = vector.shape_cast %get3A_87 : vector<1x128x12xf32> to vector<128x12xf32>
    %slice3A_89 = vector.extract_strided_slice %get3A_88 {offsets = [0, 0], sizes = [128, 3], strides = [1, 1]} : vector<128x12xf32> to vector<128x3xf32>
    %slice3A_90 = vector.extract_strided_slice %get3A_88 {offsets = [0, 3], sizes = [128, 3], strides = [1, 1]} : vector<128x12xf32> to vector<128x3xf32>
    %slice3A_91 = vector.extract_strided_slice %get3A_88 {offsets = [0, 6], sizes = [128, 3], strides = [1, 1]} : vector<128x12xf32> to vector<128x3xf32>
    %slice3A_92 = vector.extract_strided_slice %get3A_88 {offsets = [0, 9], sizes = [128, 3], strides = [1, 1]} : vector<128x12xf32> to vector<128x3xf32>
    %sub3A_93 = arith.subf %slice3A_90, %slice3A_89 : vector<128x3xf32>
    %sub3A_94 = arith.subf %slice3A_91, %slice3A_90 : vector<128x3xf32>
    %slice3A_95 = vector.extract_strided_slice %sub3A_93 {offsets = [0, 1], sizes = [128, 1], strides = [1, 1]} : vector<128x3xf32> to vector<128x1xf32>
    %slice3A_96 = vector.extract_strided_slice %sub3A_94 {offsets = [0, 2], sizes = [128, 1], strides = [1, 1]} : vector<128x3xf32> to vector<128x1xf32>
    %mul3A_97 = arith.mulf %slice3A_95, %slice3A_96 : vector<128x1xf32>
    %slice3A_98 = vector.extract_strided_slice %sub3A_93 {offsets = [0, 2], sizes = [128, 1], strides = [1, 1]} : vector<128x3xf32> to vector<128x1xf32>
    %slice3A_99 = vector.extract_strided_slice %sub3A_94 {offsets = [0, 1], sizes = [128, 1], strides = [1, 1]} : vector<128x3xf32> to vector<128x1xf32>
    %mul3A_100 = arith.mulf %slice3A_98, %slice3A_99 : vector<128x1xf32>
    %sub3A_101 = arith.subf %mul3A_97, %mul3A_100 : vector<128x1xf32>
    %slice3A_102 = vector.extract_strided_slice %sub3A_93 {offsets = [0, 2], sizes = [128, 1], strides = [1, 1]} : vector<128x3xf32> to vector<128x1xf32>
    %slice3A_103 = vector.extract_strided_slice %sub3A_94 {offsets = [0, 0], sizes = [128, 1], strides = [1, 1]} : vector<128x3xf32> to vector<128x1xf32>
    %mul3A_104 = arith.mulf %slice3A_102, %slice3A_103 : vector<128x1xf32>
    %slice3A_105 = vector.extract_strided_slice %sub3A_93 {offsets = [0, 0], sizes = [128, 1], strides = [1, 1]} : vector<128x3xf32> to vector<128x1xf32>
    %slice3A_106 = vector.extract_strided_slice %sub3A_94 {offsets = [0, 2], sizes = [128, 1], strides = [1, 1]} : vector<128x3xf32> to vector<128x1xf32>
    %mul3A_107 = arith.mulf %slice3A_105, %slice3A_106 : vector<128x1xf32>
    %sub3A_108 = arith.subf %mul3A_104, %mul3A_107 : vector<128x1xf32>
    %slice3A_109 = vector.extract_strided_slice %sub3A_93 {offsets = [0, 0], sizes = [128, 1], strides = [1, 1]} : vector<128x3xf32> to vector<128x1xf32>
    %slice3A_110 = vector.extract_strided_slice %sub3A_94 {offsets = [0, 1], sizes = [128, 1], strides = [1, 1]} : vector<128x3xf32> to vector<128x1xf32>
    %mul3A_111 = arith.mulf %slice3A_109, %slice3A_110 : vector<128x1xf32>
    %slice3A_112 = vector.extract_strided_slice %sub3A_93 {offsets = [0, 1], sizes = [128, 1], strides = [1, 1]} : vector<128x3xf32> to vector<128x1xf32>
    %slice3A_113 = vector.extract_strided_slice %sub3A_94 {offsets = [0, 0], sizes = [128, 1], strides = [1, 1]} : vector<128x3xf32> to vector<128x1xf32>
    %mul3A_114 = arith.mulf %slice3A_112, %slice3A_113 : vector<128x1xf32>
    %sub3A_115 = arith.subf %mul3A_111, %mul3A_114 : vector<128x1xf32>
    %concatenate3A = tpu.concatenate %sub3A_101, %sub3A_108, %sub3A_115 in 1 : vector<128x1xf32>, vector<128x1xf32>, vector<128x1xf32> -> vector<128x3xf32>
    %mul3A_116 = arith.constant -0.582734287 : f32
    %mul3A_117 = vector.broadcast %mul3A_116 : f32 to vector<128x3xf32>
    %mul3A_118 = arith.mulf %mul3A_117, %concatenate3A : vector<128x3xf32>
    %mul3A_119 = arith.constant 0.568028271 : f32
    %mul3A_120 = vector.broadcast %mul3A_119 : f32 to vector<128x3xf32>
    %mul3A_121 = arith.mulf %mul3A_120, %sub3A_93 : vector<128x3xf32>
    %add3A_122 = arith.addf %mul3A_118, %mul3A_121 : vector<128x3xf32>
    %mul3A_123 = arith.constant 0.540674686 : f32
    %mul3A_124 = vector.broadcast %mul3A_123 : f32 to vector<128x3xf32>
    %mul3A_125 = arith.mulf %mul3A_124, %sub3A_94 : vector<128x3xf32>
    %sub3A_126 = arith.subf %add3A_122, %mul3A_125 : vector<128x3xf32>
    %add3A_127 = arith.addf %sub3A_126, %slice3A_90 : vector<128x3xf32>
    %get3A_128 = arith.constant 0 : index
    %get3A_129 = arith.constant 0 : index
    %get3A_130 = arith.constant 0 : index
    %get3A_131 = vector.load %arg7[%get3A_128, %get3A_129, %get3A_130] : memref<1x128x1xi32, #tpu.memory_space<vmem>>, vector<1x128x1xi32>
    %get3A_132 = vector.shape_cast %get3A_131 : vector<1x128x1xi32> to vector<128x1xi32>
    %bitcast_convert_type3A = tpu.bitcast %get3A_132 : vector<128x1xi32> -> vector<128x1xf32>
    %get3A_133 = arith.constant 0 : index
    %get3A_134 = arith.constant 0 : index
    %get3A_135 = arith.constant 0 : index
    %get3A_136 = vector.load %arg8[%get3A_133, %get3A_134, %get3A_135] : memref<1x128x1xi32, #tpu.memory_space<vmem>>, vector<1x128x1xi32>
    %get3A_137 = vector.shape_cast %get3A_136 : vector<1x128x1xi32> to vector<128x1xi32>
    %bitcast_convert_type3A_138 = tpu.bitcast %get3A_137 : vector<128x1xi32> -> vector<128x1xf32>
    %broadcast_in_dim3A_139 = arith.constant 0.000000e+00 : f32
    %broadcast_in_dim3A_140 = vector.broadcast %broadcast_in_dim3A_139 : f32 to vector<128x111xf32>
    %concatenate3A_141 = tpu.concatenate %slice3A_89, %slice3A_90, %slice3A_91, %slice3A_92, %add3A_127, %bitcast_convert_type3A, %bitcast_convert_type3A_138, %broadcast_in_dim3A_140 in 1 : vector<128x3xf32>, vector<128x3xf32>, vector<128x3xf32>, vector<128x3xf32>, vector<128x3xf32>, vector<128x1xf32>, vector<128x1xf32>, vector<128x111xf32> -> vector<128x128xf32>
    %swap3A_142 = arith.constant 0 : index
    %swap3A_143 = arith.constant 0 : index
    %swap3A_144 = arith.constant 0 : index
    %swap3A_145 = vector.load %arg12[%swap3A_142, %swap3A_143, %swap3A_144] : memref<1x128x128xf32, #tpu.memory_space<vmem>>, vector<1x128x128xf32>
    %swap3A_146 = vector.shape_cast %swap3A_145 : vector<1x128x128xf32> to vector<128x128xf32>
    %swap3A_147 = vector.shape_cast %concatenate3A_141 : vector<128x128xf32> to vector<1x128x128xf32>
    tpu.vector_store %arg12[%swap3A_142, %swap3A_143, %swap3A_144], %swap3A_147 {strides = array<i32>} : memref<1x128x128xf32, #tpu.memory_space<vmem>>, vector<1x128x128xf32>,
    return
  }
  func.func @transform_0(%arg0: i32, %arg1: i32) -> (i32, i32, i32) {
    %c0_i32 = arith.constant 0 : i32
    %c0_i32_0 = arith.constant 0 : i32
    %c0_i32_1 = arith.constant 0 : i32
    return %arg0, %c0_i32, %c0_i32_0 : i32, i32, i32
  }
  func.func @transform_1(%arg0: i32, %arg1: i32) -> (i32, i32, i32) {
    %c0_i32 = arith.constant 0 : i32
    %c0_i32_0 = arith.constant 0 : i32
    return %arg0, %c0_i32, %arg1 : i32, i32, i32
  }
  func.func @transform_2(%arg0: i32, %arg1: i32) -> (i32, i32, i32) {
    %c0_i32 = arith.constant 0 : i32
    %c0_i32_0 = arith.constant 0 : i32
    return %arg0, %arg1, %c0_i32 : i32, i32, i32
  }
  func.func @transform_3(%arg0: i32, %arg1: i32) -> (i32, i32, i32) {
    %c0_i32 = arith.constant 0 : i32
    %c0_i32_0 = arith.constant 0 : i32
    %c0_i32_1 = arith.constant 0 : i32
    return %arg0, %c0_i32, %c0_i32_0 : i32, i32, i32
  }
  func.func @transform_4(%arg0: i32, %arg1: i32) -> (i32, i32, i32) {
    %c0_i32 = arith.constant 0 : i32
    %c0_i32_0 = arith.constant 0 : i32
    return %arg0, %c0_i32, %arg1 : i32, i32, i32
  }
  func.func @transform_5(%arg0: i32, %arg1: i32) -> (i32, i32, i32) {
    %c0_i32 = arith.constant 0 : i32
    %c0_i32_0 = arith.constant 0 : i32
    return %arg0, %arg1, %c0_i32 : i32, i32, i32
  }
  func.func @transform_6(%arg0: i32, %arg1: i32) -> (i32, i32, i32) {
    %c0_i32 = arith.constant 0 : i32
    %c0_i32_0 = arith.constant 0 : i32
    return %arg0, %arg1, %c0_i32 : i32, i32, i32
  }
  func.func @transform_7(%arg0: i32, %arg1: i32) -> (i32, i32, i32) {
    %c0_i32 = arith.constant 0 : i32
    %c0_i32_0 = arith.constant 0 : i32
    return %arg0, %arg1, %c0_i32 : i32, i32, i32
  }
  func.func @transform_8(%arg0: i32, %arg1: i32) -> (i32, i32, i32) {
    %c0_i32 = arith.constant 0 : i32
    %c0_i32_0 = arith.constant 0 : i32
    return %arg0, %arg1, %c0_i32 : i32, i32, i32
  }
  func.func @transform_9(%arg0: i32, %arg1: i32) -> (i32, i32, i32) {
    %c0_i32 = arith.constant 0 : i32
    %c0_i32_0 = arith.constant 0 : i32
    return %arg0, %arg1, %c0_i32 : i32, i32, i32
  }
  func.func @transform_10(%arg0: i32, %arg1: i32) -> (i32, i32, i32) {
    %c0_i32 = arith.constant 0 : i32
    %c0_i32_0 = arith.constant 0 : i32
    return %arg0, %arg1, %c0_i32 : i32, i32, i32
  }
}

module attributes {stable_mosaic.version = 14 : i64} {
  func.func @_k3_body(%arg0: i32, %arg1: memref<128x128xf32, #tpu.memory_space<vmem>>, %arg2: memref<3840x128xf32, #tpu.memory_space<vmem>>, %arg3: memref<3840x1xf32, #tpu.memory_space<vmem>>, %arg4: memref<16x66xf32, #tpu.memory_space<vmem>>, %arg5: memref<1x16xf32, #tpu.memory_space<vmem>>, %arg6: memref<128x416xf32, #tpu.memory_space<vmem>>, %arg7: memref<1x128xf32, #tpu.memory_space<vmem>>, %arg8: memref<1x128xf32, #tpu.memory_space<vmem>>, %arg9: memref<64x128xf32, #tpu.memory_space<vmem>>, %arg10: memref<128x32xf32, #tpu.memory_space<vmem>>, %arg11: memref<32x400xf32, #tpu.memory_space<vmem>>, %arg12: memref<1x400xf32, #tpu.memory_space<vmem>>, %arg13: memref<128x128xf32, #tpu.memory_space<vmem>>, %arg14: memref<3840x128xf32, #tpu.memory_space<vmem>>) attributes {dimension_semantics = [#tpu.dimension_semantics<arbitrary>], iteration_bounds = array<i64: 16>, scalar_prefetch = 0 : i64, scratch_operands = 0 : i64, tpu.core_type = #tpu.core_type<tc>, window_params = [{transform_indices = @transform_0, window_bounds = array<i64: 128, 128>}, {transform_indices = @transform_1, window_bounds = array<i64: 3840, 128>}, {transform_indices = @transform_2, window_bounds = array<i64: 3840, 1>}, {pipeline_mode = #tpu.pipeline_mode<synchronous>, transform_indices = @transform_3, window_bounds = array<i64: 16, 66>}, {pipeline_mode = #tpu.pipeline_mode<synchronous>, transform_indices = @transform_4, window_bounds = array<i64: 1, 16>}, {pipeline_mode = #tpu.pipeline_mode<synchronous>, transform_indices = @transform_5, window_bounds = array<i64: 128, 416>}, {pipeline_mode = #tpu.pipeline_mode<synchronous>, transform_indices = @transform_6, window_bounds = array<i64: 1, 128>}, {pipeline_mode = #tpu.pipeline_mode<synchronous>, transform_indices = @transform_7, window_bounds = array<i64: 1, 128>}, {pipeline_mode = #tpu.pipeline_mode<synchronous>, transform_indices = @transform_8, window_bounds = array<i64: 64, 128>}, {pipeline_mode = #tpu.pipeline_mode<synchronous>, transform_indices = @transform_9, window_bounds = array<i64: 128, 32>}, {pipeline_mode = #tpu.pipeline_mode<synchronous>, transform_indices = @transform_10, window_bounds = array<i64: 32, 400>}, {pipeline_mode = #tpu.pipeline_mode<synchronous>, transform_indices = @transform_11, window_bounds = array<i64: 1, 400>}, {pipeline_mode = #tpu.pipeline_mode<synchronous>, transform_indices = @transform_12, window_bounds = array<i64: 128, 128>}, {transform_indices = @transform_13, window_bounds = array<i64: 3840, 128>}]} {
    %get3A = arith.constant 0 : index
    %get3A_0 = arith.constant 0 : index
    %get3A_1 = vector.load %arg1[%get3A, %get3A_0] : memref<128x128xf32, #tpu.memory_space<vmem>>, vector<128x128xf32>
    %slice3A = vector.extract_strided_slice %get3A_1 {offsets = [0, 0], sizes = [128, 32], strides = [1, 1]} : vector<128x128xf32> to vector<128x32xf32>
    %broadcast_in_dim3A = vector.shape_cast %slice3A : vector<128x32xf32> to vector<128x1x32xf32>
    %broadcast_in_dim3A_2 = vector.shape_cast %broadcast_in_dim3A : vector<128x1x32xf32> to vector<128x1x32xf32>
    %broadcast_in_dim3A_3 = vector.broadcast %broadcast_in_dim3A_2 : vector<128x1x32xf32> to vector<128x30x32xf32>
    %reshape3A = vector.shape_cast %broadcast_in_dim3A_3 : vector<128x30x32xf32> to vector<3840x32xf32>
    %get3A_4 = arith.constant 0 : index
    %get3A_5 = arith.constant 0 : index
    %get3A_6 = vector.load %arg2[%get3A_4, %get3A_5] : memref<3840x128xf32, #tpu.memory_space<vmem>>, vector<3840x128xf32>
    %slice3A_7 = vector.extract_strided_slice %get3A_6 {offsets = [0, 0], sizes = [3840, 32], strides = [1, 1]} : vector<3840x128xf32> to vector<3840x32xf32>
    %concatenate3A = tpu.concatenate %reshape3A, %slice3A_7 in 1 : vector<3840x32xf32>, vector<3840x32xf32> -> vector<3840x64xf32>
    %get3A_8 = arith.constant 0 : index
    %get3A_9 = arith.constant 0 : index
    %get3A_10 = vector.load %arg9[%get3A_8, %get3A_9] : memref<64x128xf32, #tpu.memory_space<vmem>>, vector<64x128xf32>
    %dot_general3A = arith.constant dense<0.000000e+00> : vector<3840x128xf32>
    %dot_general3A_11 = tpu.matmul %concatenate3A, %get3A_10, %dot_general3A {dimension_numbers = #tpu.dot_dimension_numbers<[1], [0], [0], [1], [0, 0, 1, 1], [], []>, transpose_lhs_hint = false} : vector<3840x64xf32>, vector<64x128xf32>, vector<3840x128xf32> -> vector<3840x128xf32>
    %mul3A = arith.mulf %dot_general3A_11, %dot_general3A_11 : vector<3840x128xf32>
    %get3A_12 = arith.constant 0 : index
    %get3A_13 = arith.constant 0 : index
    %get3A_14 = vector.load %arg10[%get3A_12, %get3A_13] : memref<128x32xf32, #tpu.memory_space<vmem>>, vector<128x32xf32>
    %dot_general3A_15 = arith.constant dense<0.000000e+00> : vector<3840x32xf32>
    %dot_general3A_16 = tpu.matmul %mul3A, %get3A_14, %dot_general3A_15 {dimension_numbers = #tpu.dot_dimension_numbers<[1], [0], [0], [1], [0, 0, 1, 1], [], []>, transpose_lhs_hint = false} : vector<3840x128xf32>, vector<128x32xf32>, vector<3840x32xf32> -> vector<3840x32xf32>
    %add3A = arith.constant 9.99999997E-7 : f32
    %add3A_17 = vector.broadcast %add3A : f32 to vector<3840x32xf32>
    %add3A_18 = arith.addf %dot_general3A_16, %add3A_17 : vector<3840x32xf32>
    %sqrt3A = math.sqrt %add3A_18 : vector<3840x32xf32>
    %iota3A = tpu.iota {dimensions = array<i32: 1>} : vector<1x32xi32>
    %eq3A = arith.constant 0 : i32
    %eq3A_19 = vector.broadcast %eq3A : i32 to vector<1x32xi32>
    %eq3A_20 = arith.cmpi eq, %iota3A, %eq3A_19 : vector<1x32xi32>
    %get3A_21 = arith.constant 0 : index
    %get3A_22 = arith.constant 0 : index
    %get3A_23 = vector.load %arg3[%get3A_21, %get3A_22] : memref<3840x1xf32, #tpu.memory_space<vmem>>, vector<3840x1xf32>
    %broadcast_in_dim3A_24 = vector.shape_cast %eq3A_20 : vector<1x32xi1> to vector<1x32xi1>
    %broadcast_in_dim3A_25 = vector.broadcast %broadcast_in_dim3A_24 : vector<1x32xi1> to vector<3840x32xi1>
    %broadcast_in_dim3A_26 = vector.shape_cast %get3A_23 : vector<3840x1xf32> to vector<3840x1xf32>
    %broadcast_in_dim3A_27 = vector.broadcast %broadcast_in_dim3A_26 : vector<3840x1xf32> to vector<3840x32xf32>
    %select_n3A = arith.select %broadcast_in_dim3A_25, %broadcast_in_dim3A_27, %sqrt3A : vector<3840x32xi1>, vector<3840x32xf32>
    %get3A_28 = arith.constant 0 : index
    %get3A_29 = arith.constant 0 : index
    %get3A_30 = vector.load %arg11[%get3A_28, %get3A_29] : memref<32x400xf32, #tpu.memory_space<vmem>>, vector<32x400xf32>
    %dot_general3A_31 = arith.constant dense<0.000000e+00> : vector<3840x400xf32>
    %dot_general3A_32 = tpu.matmul %select_n3A, %get3A_30, %dot_general3A_31 {dimension_numbers = #tpu.dot_dimension_numbers<[1], [0], [0], [1], [0, 0, 1, 1], [], []>, transpose_lhs_hint = false} : vector<3840x32xf32>, vector<32x400xf32>, vector<3840x400xf32> -> vector<3840x400xf32>
    %get3A_33 = arith.constant 0 : index
    %get3A_34 = arith.constant 0 : index
    %get3A_35 = vector.load %arg12[%get3A_33, %get3A_34] : memref<1x400xf32, #tpu.memory_space<vmem>>, vector<1x400xf32>
    %sub3A = vector.broadcast %get3A_35 : vector<1x400xf32> to vector<3840x400xf32>
    %sub3A_36 = arith.subf %dot_general3A_32, %sub3A : vector<3840x400xf32>
    %mul3A_37 = arith.constant 8.000000e-01 : f32
    %mul3A_38 = vector.broadcast %mul3A_37 : f32 to vector<3840x400xf32>
    %mul3A_39 = arith.mulf %sub3A_36, %mul3A_38 : vector<3840x400xf32>
    %mul3A_40 = arith.mulf %mul3A_39, %mul3A_39 : vector<3840x400xf32>
    %neg3A = arith.constant 0.000000e+00 : f32
    %neg3A_41 = vector.broadcast %neg3A : f32 to vector<3840x400xf32>
    %neg3A_42 = arith.subf %neg3A_41, %mul3A_40 : vector<3840x400xf32>
    %exp3A = math.exp %neg3A_42 : vector<3840x400xf32>
    %slice3A_43 = vector.extract_strided_slice %reshape3A {offsets = [0, 15], sizes = [3840, 1], strides = [1, 1]} : vector<3840x32xf32> to vector<3840x1xf32>
    %bitcast_convert_type3A = tpu.bitcast %slice3A_43 : vector<3840x1xf32> -> vector<3840x1xi32>
    %slice3A_44 = vector.extract_strided_slice %slice3A_7 {offsets = [0, 15], sizes = [3840, 1], strides = [1, 1]} : vector<3840x32xf32> to vector<3840x1xf32>
    %bitcast_convert_type3A_45 = tpu.bitcast %slice3A_44 : vector<3840x1xf32> -> vector<3840x1xi32>
    %slice3A_46 = vector.extract_strided_slice %reshape3A {offsets = [0, 16], sizes = [3840, 1], strides = [1, 1]} : vector<3840x32xf32> to vector<3840x1xf32>
    %bitcast_convert_type3A_47 = tpu.bitcast %slice3A_46 : vector<3840x1xf32> -> vector<3840x1xi32>
    %slice3A_48 = vector.extract_strided_slice %slice3A_7 {offsets = [0, 16], sizes = [3840, 1], strides = [1, 1]} : vector<3840x32xf32> to vector<3840x1xf32>
    %bitcast_convert_type3A_49 = tpu.bitcast %slice3A_48 : vector<3840x1xf32> -> vector<3840x1xi32>
    %eq3A_50 = arith.cmpi eq, %bitcast_convert_type3A_47, %bitcast_convert_type3A_49 : vector<3840x1xi32>
    %convert_element_type3A = arith.extui %eq3A_50 : vector<3840x1xi1> to vector<3840x1xi32>
    %sub3A_51 = arith.subi %bitcast_convert_type3A, %bitcast_convert_type3A_45 : vector<3840x1xi32>
    %add3A_52 = arith.constant 32 : i32
    %add3A_53 = vector.broadcast %add3A_52 : i32 to vector<3840x1xi32>
    %add3A_54 = arith.addi %sub3A_51, %add3A_53 : vector<3840x1xi32>
    %jit3A = arith.constant 0 : i32
    %jit3A_55 = arith.constant 64 : i32
    %max3A = vector.broadcast %jit3A : i32 to vector<3840x1xi32>
    %max3A_56 = arith.maxsi %max3A, %add3A_54 : vector<3840x1xi32>
    %min3A = vector.broadcast %jit3A_55 : i32 to vector<3840x1xi32>
    %min3A_57 = arith.minsi %min3A, %max3A_56 : vector<3840x1xi32>
    %mul3A_58 = arith.muli %min3A_57, %convert_element_type3A : vector<3840x1xi32>
    %sub3A_59 = arith.constant 1 : i32
    %sub3A_60 = vector.broadcast %sub3A_59 : i32 to vector<3840x1xi32>
    %sub3A_61 = arith.subi %sub3A_60, %convert_element_type3A : vector<3840x1xi32>
    %mul3A_62 = arith.constant 65 : i32
    %mul3A_63 = vector.broadcast %mul3A_62 : i32 to vector<3840x1xi32>
    %mul3A_64 = arith.muli %sub3A_61, %mul3A_63 : vector<3840x1xi32>
    %add3A_65 = arith.addi %mul3A_58, %mul3A_64 : vector<3840x1xi32>
    %iota3A_66 = tpu.iota {dimensions = array<i32: 1>} : vector<1x66xi32>
    %eq3A_67 = vector.broadcast %add3A_65 : vector<3840x1xi32> to vector<3840x66xi32>
    %eq3A_68 = vector.broadcast %iota3A_66 : vector<1x66xi32> to vector<3840x66xi32>
    %eq3A_69 = arith.cmpi eq, %eq3A_67, %eq3A_68 : vector<3840x66xi32>
    %convert_element_type3A_70 = arith.extui %eq3A_69 : vector<3840x66xi1> to vector<3840x66xi32>
    %convert_element_type3A_71 = arith.sitofp %convert_element_type3A_70 : vector<3840x66xi32> to vector<3840x66xf32>
    %get3A_72 = arith.constant 0 : index
    %get3A_73 = arith.constant 0 : index
    %get3A_74 = vector.load %arg4[%get3A_72, %get3A_73] : memref<16x66xf32, #tpu.memory_space<vmem>>, vector<16x66xf32>
    %dot_general3A_75 = arith.constant dense<0.000000e+00> : vector<3840x16xf32>
    %dot_general3A_76 = tpu.matmul %convert_element_type3A_71, %get3A_74, %dot_general3A_75 {dimension_numbers = #tpu.dot_dimension_numbers<[1], [1], [0], [0], [0, 0, 1, 0], [], []>, transpose_lhs_hint = false} : vector<3840x66xf32>, vector<16x66xf32>, vector<3840x16xf32> -> vector<3840x16xf32>
    %get3A_77 = arith.constant 0 : index
    %get3A_78 = arith.constant 0 : index
    %get3A_79 = vector.load %arg5[%get3A_77, %get3A_78] : memref<1x16xf32, #tpu.memory_space<vmem>>, vector<1x16xf32>
    %add3A_80 = vector.broadcast %get3A_79 : vector<1x16xf32> to vector<3840x16xf32>
    %add3A_81 = arith.addf %dot_general3A_76, %add3A_80 : vector<3840x16xf32>
    %concatenate3A_82 = tpu.concatenate %add3A_81, %exp3A in 1 : vector<3840x16xf32>, vector<3840x400xf32> -> vector<3840x416xf32>
    %get3A_83 = arith.constant 0 : index
    %get3A_84 = arith.constant 0 : index
    %get3A_85 = vector.load %arg6[%get3A_83, %get3A_84] : memref<128x416xf32, #tpu.memory_space<vmem>>, vector<128x416xf32>
    %dot_general3A_86 = arith.constant dense<0.000000e+00> : vector<3840x128xf32>
    %dot_general3A_87 = tpu.matmul %concatenate3A_82, %get3A_85, %dot_general3A_86 {dimension_numbers = #tpu.dot_dimension_numbers<[1], [1], [0], [0], [0, 0, 1, 0], [], []>, transpose_lhs_hint = false} : vector<3840x416xf32>, vector<128x416xf32>, vector<3840x128xf32> -> vector<3840x128xf32>
    %get3A_88 = arith.constant 0 : index
    %get3A_89 = arith.constant 0 : index
    %get3A_90 = vector.load %arg13[%get3A_88, %get3A_89] : memref<128x128xf32, #tpu.memory_space<vmem>>, vector<128x128xf32>
    %dot_general3A_91 = arith.constant dense<0.000000e+00> : vector<3840x128xf32>
    %dot_general3A_92 = tpu.matmul %dot_general3A_87, %get3A_90, %dot_general3A_91 {dimension_numbers = #tpu.dot_dimension_numbers<[1], [0], [0], [1], [0, 0, 1, 1], [], []>, transpose_lhs_hint = false} : vector<3840x128xf32>, vector<128x128xf32>, vector<3840x128xf32> -> vector<3840x128xf32>
    %sub3A_93 = arith.subf %dot_general3A_87, %dot_general3A_92 : vector<3840x128xf32>
    %mul3A_94 = arith.mulf %sub3A_93, %sub3A_93 : vector<3840x128xf32>
    %get3A_95 = arith.constant 0 : index
    %get3A_96 = arith.constant 0 : index
    %get3A_97 = vector.load %arg13[%get3A_95, %get3A_96] : memref<128x128xf32, #tpu.memory_space<vmem>>, vector<128x128xf32>
    %dot_general3A_98 = arith.constant dense<0.000000e+00> : vector<3840x128xf32>
    %dot_general3A_99 = tpu.matmul %mul3A_94, %get3A_97, %dot_general3A_98 {dimension_numbers = #tpu.dot_dimension_numbers<[1], [0], [0], [1], [0, 0, 1, 1], [], []>, transpose_lhs_hint = false} : vector<3840x128xf32>, vector<128x128xf32>, vector<3840x128xf32> -> vector<3840x128xf32>
    %add3A_100 = arith.constant 9.99999974E-6 : f32
    %add3A_101 = vector.broadcast %add3A_100 : f32 to vector<3840x128xf32>
    %add3A_102 = arith.addf %dot_general3A_99, %add3A_101 : vector<3840x128xf32>
    %rsqrt3A = math.rsqrt %add3A_102 : vector<3840x128xf32>
    %mul3A_103 = arith.mulf %sub3A_93, %rsqrt3A : vector<3840x128xf32>
    %get3A_104 = arith.constant 0 : index
    %get3A_105 = arith.constant 0 : index
    %get3A_106 = vector.load %arg7[%get3A_104, %get3A_105] : memref<1x128xf32, #tpu.memory_space<vmem>>, vector<1x128xf32>
    %mul3A_107 = vector.broadcast %get3A_106 : vector<1x128xf32> to vector<3840x128xf32>
    %mul3A_108 = arith.mulf %mul3A_103, %mul3A_107 : vector<3840x128xf32>
    %get3A_109 = arith.constant 0 : index
    %get3A_110 = arith.constant 0 : index
    %get3A_111 = vector.load %arg8[%get3A_109, %get3A_110] : memref<1x128xf32, #tpu.memory_space<vmem>>, vector<1x128xf32>
    %add3A_112 = vector.broadcast %get3A_111 : vector<1x128xf32> to vector<3840x128xf32>
    %add3A_113 = arith.addf %mul3A_108, %add3A_112 : vector<3840x128xf32>
    %swap3A = arith.constant 0 : index
    %swap3A_114 = arith.constant 0 : index
    %swap3A_115 = vector.load %arg14[%swap3A, %swap3A_114] : memref<3840x128xf32, #tpu.memory_space<vmem>>, vector<3840x128xf32>
    tpu.vector_store %arg14[%swap3A, %swap3A_114], %add3A_113 {strides = array<i32>} : memref<3840x128xf32, #tpu.memory_space<vmem>>, vector<3840x128xf32>,
    return
  }
  func.func @transform_0(%arg0: i32) -> (i32, i32) {
    %add3A = arith.constant 0 : i32
    %add3A_0 = arith.addi %arg0, %add3A : i32
    %c0_i32 = arith.constant 0 : i32
    %c0_i32_1 = arith.constant 0 : i32
    return %add3A_0, %c0_i32 : i32, i32
  }
  func.func @transform_1(%arg0: i32) -> (i32, i32) {
    %c0_i32 = arith.constant 0 : i32
    %c0_i32_0 = arith.constant 0 : i32
    return %arg0, %c0_i32 : i32, i32
  }
  func.func @transform_2(%arg0: i32) -> (i32, i32) {
    %c0_i32 = arith.constant 0 : i32
    %c0_i32_0 = arith.constant 0 : i32
    return %arg0, %c0_i32 : i32, i32
  }
  func.func @transform_3(%arg0: i32) -> (i32, i32) {
    %c0_i32 = arith.constant 0 : i32
    %c0_i32_0 = arith.constant 0 : i32
    %c0_i32_1 = arith.constant 0 : i32
    return %c0_i32, %c0_i32_0 : i32, i32
  }
  func.func @transform_4(%arg0: i32) -> (i32, i32) {
    %c0_i32 = arith.constant 0 : i32
    %c0_i32_0 = arith.constant 0 : i32
    %c0_i32_1 = arith.constant 0 : i32
    return %c0_i32, %c0_i32_0 : i32, i32
  }
  func.func @transform_5(%arg0: i32) -> (i32, i32) {
    %c0_i32 = arith.constant 0 : i32
    %c0_i32_0 = arith.constant 0 : i32
    %c0_i32_1 = arith.constant 0 : i32
    return %c0_i32, %c0_i32_0 : i32, i32
  }
  func.func @transform_6(%arg0: i32) -> (i32, i32) {
    %c0_i32 = arith.constant 0 : i32
    %c0_i32_0 = arith.constant 0 : i32
    %c0_i32_1 = arith.constant 0 : i32
    return %c0_i32, %c0_i32_0 : i32, i32
  }
  func.func @transform_7(%arg0: i32) -> (i32, i32) {
    %c0_i32 = arith.constant 0 : i32
    %c0_i32_0 = arith.constant 0 : i32
    %c0_i32_1 = arith.constant 0 : i32
    return %c0_i32, %c0_i32_0 : i32, i32
  }
  func.func @transform_8(%arg0: i32) -> (i32, i32) {
    %c0_i32 = arith.constant 0 : i32
    %c0_i32_0 = arith.constant 0 : i32
    %c0_i32_1 = arith.constant 0 : i32
    return %c0_i32, %c0_i32_0 : i32, i32
  }
  func.func @transform_9(%arg0: i32) -> (i32, i32) {
    %c0_i32 = arith.constant 0 : i32
    %c0_i32_0 = arith.constant 0 : i32
    %c0_i32_1 = arith.constant 0 : i32
    return %c0_i32, %c0_i32_0 : i32, i32
  }
  func.func @transform_10(%arg0: i32) -> (i32, i32) {
    %c0_i32 = arith.constant 0 : i32
    %c0_i32_0 = arith.constant 0 : i32
    %c0_i32_1 = arith.constant 0 : i32
    return %c0_i32, %c0_i32_0 : i32, i32
  }
  func.func @transform_11(%arg0: i32) -> (i32, i32) {
    %c0_i32 = arith.constant 0 : i32
    %c0_i32_0 = arith.constant 0 : i32
    %c0_i32_1 = arith.constant 0 : i32
    return %c0_i32, %c0_i32_0 : i32, i32
  }
  func.func @transform_12(%arg0: i32) -> (i32, i32) {
    %c0_i32 = arith.constant 0 : i32
    %c0_i32_0 = arith.constant 0 : i32
    %c0_i32_1 = arith.constant 0 : i32
    return %c0_i32, %c0_i32_0 : i32, i32
  }
  func.func @transform_13(%arg0: i32) -> (i32, i32) {
    %c0_i32 = arith.constant 0 : i32
    %c0_i32_0 = arith.constant 0 : i32
    return %arg0, %c0_i32 : i32, i32
  }
}

</mosaic_0001>

<sc_bundles>
// kernel: kernel.5.cloned.1.call-start
scs
__scs_entry_jumppad:
0x0: {  	(pc) =	sbr.rel $0x88, $3  }
0x1: {  	(tag) =	ssettag $0x0;
	lr =	simm.s32 $0x1  }
0x2: {  	[smem:$0x3F98] =	sst lr;
	_ =	strace $0xD0000000  }
0x3: {  	_ = 	snop  }
0x4: {  	_ = 	snop  }
0x5: {  	_ = 	snop  }
0x6: {  	_ = 	snop  }
0x7: {  	_ = 	snop  }
__scs_overlays_trampoline_lowered:
0x8: {  	[smem:$0x3FA7] =	sst s0  }
0x9: {  	[smem:$0x3FA8] =	sst s1  }
0xa: {  	[smem:$0x3FA9] =	sst s2  }
0xb: {  	[smem:$0x3FAA] =	sst s3  }
0xc: {  	[smem:$0x3FAB] =	sst s4  }
0xd: {  	[smem:$0x3FAC] =	sst s5  }
0xe: {  	[smem:$0x3FAD] =	sst s6  }
0xf: {  	[smem:$0x3FAE] =	sst s7  }
0x10: {  	[smem:$0x3FAF] =	sst s8  }
0x11: {  	[smem:$0x3FB0] =	sst s9;
	s0 =	simm.s32 @!p0 $0x0  }
0x12: {  	s1 =	sld [smem:$0x3F96];
	s0 =	simm.s32 @p0 $0x1  }
0x13: {  	[smem:$0x3FB1] =	sst s0;
	s0 =	simm.s32 @!p1 $0x0  }
0x14: {  	s2 =	sld [smem:$0x3F95];
	s0 =	simm.s32 @p1 $0x1  }
0x15: {  	[smem:$0x3FB2] =	sst s0;
	s0 =	simm.s32 @!p2 $0x0  }
0x16: {  	s3 =	sld [smem:$0x3FDB];
	s0 =	simm.s32 @p2 $0x1  }
0x17: {  	s4 =	simm.s32 $0x1BF5;
	[smem:$0x3FB4] =	sst s0  }
0x18: {  	s0 =	sld [smem:$0x3F97];
	_ =	swait.ge [sflag:s4], $0x0  }
0x19: {  	s7 =	sld [smem:$0x3F98]  }
0x1a: {  	s8 =	sadd.s32 $0xFFFFE003, lr  }
0x1b: {  	s9 =	sadd.s32 $0xFFFFFEF7, lr;
	s5 =	simm.s32 $0xFFFFFFFF;
	p2 =	slt.u32 s8, $0xFFFFF086  }
0x1c: {  	p1 =	slt.u32 s9, $0xF7A;
	s5 =	simm.s32 @!p2 $0x0  }
0x1d: {  	s5 =	simm.s32 @p1 $0x1;
	p0 =	seq.s32 s7, s2  }
0x1e: {  	s7 =	smul.u32 @!p0 $0xF7A, s2;
	p2 =	seq.s32 @!p0 s5, $0x0  }
0x1f: {  	s9 =	smul.u32 $0xF7A, s1;
	s8 =	simm.s32 @!p0 $0x1BF5;
	p2 =	por !p2, p0  }
0x20: {  	[sflag:s8] =	ssyncset.s32 @!p0 $0xFFFFF086;
	s6 =	sadd.s32 @!p0 s3, s7;
	s7 =	simm.s32 @!p0 $0x108  }
0x21: {  	s3 =	sadd.s32 s3, s9;
	s6 =	sadd.s32 @!p0 $0x88, s6;
	s7 =	simm.s32 @p2 $0x1082  }
0x22: {  	[simem:s7], [sflag:s8] =	dma.local @!p0 [hbm:s6], $0xF7A  }
0x23: {  	s9 =	sor.u32 $0xD0000000, s2;
	s6 =	simm.s32 $0x108;
	_ =	swait.ge @!p0 [sflag:s8], $0x0  }
0x24: {  	s3 =	sadd.s32 $0x88, s3;
	s6 =	simm.s32 @!p1 $0x1082;
	[sflag:s4] =	ssyncset.s32 $0xFFFFF086  }
0x25: {  	[simem:s6], [sflag:s4] =	dma.local [hbm:s3], $0xF7A  }
0x26: {  	[smem:$0x3F98] =	sst s1;
	(tag) =	ssettag s2;
	_ =	strace s9  }
0x27: {  	s1 =	sld [smem:$0x3FA8]  }
0x28: {  	s2 =	sld [smem:$0x3FA9]  }
0x29: {  	s4 =	sld [smem:$0x3FAB]  }
0x2a: {  	p0 =	seq.s32 s5, $0x0;
	s5 =	sld [smem:$0x3FAC]  }
0x2b: {  	s6 =	sld [smem:$0x3FAD]  }
0x2c: {  	s7 =	sld [smem:$0x3FAE]  }
0x2d: {  	s3 =	simm.s32 $0x108;
	s8 =	sld [smem:$0x3FAF]  }
0x2e: {  	s3 =	simm.s32 @!p0 $0x1082;
	s9 =	sld [smem:$0x3FB0]  }
0x2f: {  	lr =	sadd.s32 s0, s3;
	s0 =	sld [smem:$0x3FA7]  }
0x30: {  	s3 =	sld [smem:$0x3FAA]  }
0x31: {  	[smem:$0x3FB3] =	sst s10  }
0x32: {  	s10 =	sld [smem:$0x3FB1];
	_ =	sdelay $0x3  }
0x33: {  	p0 =	seq.s32 s10, $0x1;
	s10 =	sld [smem:$0x3FB3];
	_ =	sdelay $0x3  }
0x34: {  	[smem:$0x3FB3] =	sst s10  }
0x35: {  	s10 =	sld [smem:$0x3FB2];
	_ =	sdelay $0x3  }
0x36: {  	p1 =	seq.s32 s10, $0x1;
	s10 =	sld [smem:$0x3FB3];
	_ =	sdelay $0x3  }
0x37: {  	[smem:$0x3FB3] =	sst s10  }
0x38: {  	s10 =	sld [smem:$0x3FB4]  }
0x39: {  	_ = 	snop;
	(pc) =	sbr.ind lr, $3  }
0x3a: {  	_ = 	snop  }
0x3b: {  	_ = 	snop  }
0x3c: {  	p2 =	seq.s32 s10, $0x1;
	s10 =	sld [smem:$0x3FB3]  }
0x3d: {  	_ =	shalt  }
0x3e: {  	_ =	shalt  }
0x3f: {  	_ =	shalt  }
0x40: {  	_ =	shalt  }
0x41: {  	_ =	shalt  }
0x42: {  	_ =	shalt  }
0x43: {  	_ =	shalt  }
0x44: {  	_ =	shalt  }
0x45: {  	_ =	shalt  }
0x46: {  	_ =	shalt  }
0x47: {  	_ =	shalt  }
0x48: {  	_ =	shalt  }
0x49: {  	_ =	shalt  }
0x4a: {  	_ =	shalt  }
0x4b: {  	_ =	shalt  }
0x4c: {  	_ =	shalt  }
0x4d: {  	_ =	shalt  }
0x4e: {  	_ =	shalt  }
0x4f: {  	_ =	shalt  }
0x50: {  	_ =	shalt  }
0x51: {  	_ =	shalt  }
0x52: {  	_ =	shalt  }
0x53: {  	_ =	shalt  }
0x54: {  	_ =	shalt  }
0x55: {  	_ =	shalt  }
0x56: {  	_ =	shalt  }
0x57: {  	_ =	shalt  }
0x58: {  	_ =	shalt  }
0x59: {  	_ =	shalt  }
0x5a: {  	_ =	shalt  }
0x5b: {  	_ =	shalt  }
0x5c: {  	_ =	shalt  }
0x5d: {  	_ =	shalt  }
0x5e: {  	_ =	shalt  }
0x5f: {  	_ =	shalt  }
0x60: {  	_ =	shalt  }
0x61: {  	_ =	shalt  }
0x62: {  	_ =	shalt  }
0x63: {  	_ =	shalt  }
0x64: {  	_ =	shalt  }
0x65: {  	_ =	shalt  }
0x66: {  	_ =	shalt  }
0x67: {  	_ =	shalt  }
0x68: {  	_ =	shalt  }
0x69: {  	_ =	shalt  }
0x6a: {  	_ =	shalt  }
0x6b: {  	_ =	shalt  }
0x6c: {  	_ =	shalt  }
0x6d: {  	_ =	shalt  }
0x6e: {  	_ =	shalt  }
0x6f: {  	_ =	shalt  }
0x70: {  	_ =	shalt  }
0x71: {  	_ =	shalt  }
0x72: {  	_ =	shalt  }
0x73: {  	_ =	shalt  }
0x74: {  	_ =	shalt  }
0x75: {  	_ =	shalt  }
0x76: {  	_ =	shalt  }
0x77: {  	_ =	shalt  }
0x78: {  	_ =	shalt  }
0x79: {  	_ =	shalt  }
0x7a: {  	_ =	shalt  }
0x7b: {  	_ =	shalt  }
0x7c: {  	_ =	shalt  }
0x7d: {  	_ =	shalt  }
0x7e: {  	_ =	shalt  }
0x7f: {  	_ =	shalt  }
0x80: {  	_ =	shalt  }
0x81: {  	_ =	shalt  }
0x82: {  	_ =	shalt  }
0x83: {  	_ =	shalt  }
0x84: {  	_ =	shalt  }
0x85: {  	_ =	shalt  }
0x86: {  	_ =	shalt  }
0x87: {  	_ =	shalt  }
.Lfunc_end0:
.L_simem_size_0:
called_computation_lowered:
.L_overlay_start_0:
0x88: {  	s2 =	sld [smem:$0x3FD9]  }
0x89: {  	s3 =	sld [smem:$0x3FFE];
	_ =	sdelay $0x1  }
0x8a: {  	s1 =	srdreg.scid  }
0x8b: {  	s0 =	sand.u32 $0x1, s1  }
0x8c: {  	s16 =	sshll.u32 s0, $0xA;
	s2 =	sadd.s32 s3, s2  }
0x8d: {  	s2 =	sadd.s32 s2, s16  }
0x8e: {  	[smem:$0x3FBF] =	sst s2  }
0x8f: {  	_ = 	snop  }
0x90: {  	(tm) =	ssettm $0x1  }
0x91: {  	s17 =	sld [smem:$0x3FFB];
	_ =	sdelay $0x3  }
0x92: {  	_ =	strace s17  }
0x93: {  	s2 =	sld [smem:$0x3FFC];
	_ =	sdelay $0x3  }
0x94: {  	_ =	strace s2  }
0x95: {  	s2 =	sld [smem:$0x3FFD];
	_ =	sdelay $0x3  }
0x96: {  	_ =	strace s2  }
0x97: {  	_ =	strace $0x8FFFFFFF  }
0x98: {  	s18 =	sld [smem:$0x3FDB];
	_ =	sdelay $0x1  }
0x99: {  	s19 =	simm.s32 $_scs_section_size  }
0x9a: {  	s4 =	simm.s32 $_size__tile_overlayer_lowered;
	s5 =	simm.s32 $_tile_overlayer_lowered  }
0x9b: {  	s22 =	simm.s32 $0x1BFF;
	s21 =	sshll.u32 s5, $0x1;
	s2 =	sadd.s32 s19, s18  }
0x9c: {  	s6 =	simm.s32 $0x0;
	s20 =	sshll.u32 s4, $0x1;
	s4 =	sadd.s32 s21, s2  }
0x9d: {  	[timem:s6], [sflag:s22] =	dma.local [hbm:s4], s20  }
0x9e: {  	_ =	swait.ge [sflag:s22], s20  }
0x9f: {  	s3 =	ssub.s32 $0x0, s20;
	[sflag:s22] =	ssyncset.done $0x0  }
0xa0: {  	[sflag:s22] =	ssyncadd.s32 s3;
	_ =	sdelay $0x1  }
0xa1: {  	s23 =	simm.s32 $0x1B8B  }
0xa2: {  	_ =	swait.ge [sflag:s23], $0x1  }
0xa3: {  	[sflag:s23] =	ssyncset.done $0x0  }
0xa4: {  	s25 =	simm.s32 $0x1B8E;
	s24 =	sld [smem:$0x3FFE];
	[sflag:s23] =	ssyncadd.s32 $0xFFFFFFFF  }
0xa5: {  	s26 =	simm.s32 $execute0_lowered;
	[smem:$0x3FD2] =	sst s25  }
0xa6: {  	s4 =	sshll.u32 s26, $0x1;
	_ =	strace $0x80000046;
	[dreg:$0x1] =	wrdreg $0xFFFFFFFF  }
0xa7: {  	s28 =	simm.s32 $_size_execute0_lowered;
	s2 =	sadd.s32 s2, s4;
	[dreg:$0x0] =	wrdreg $0x0  }
0xa8: {  	s4 =	sshll.u32 s28, $0x1;
	[dreg:$0x2] =	wrdreg s2  }
0xa9: {  	[dreg:$0x3] =	wrdreg s4  }
0xaa: {  	[dreg:$0x4] =	wrdreg $0xC0  }
0xab: {  	_ =	task [dreg:s6], $0x5FFFF  }
0xac: {  	[dreg:$0x1] =	wrdreg $0xFFFFFFFF  }
0xad: {  	[dreg:$0x0] =	wrdreg $0x60  }
0xae: {  	[dreg:$0x2] =	wrdreg s24  }
0xaf: {  	[dreg:$0x3] =	wrdreg $0x9  }
0xb0: {  	_ =	task.clear_ibuf [dreg:s6], $0x4FFFF;
	_ =	strace $0x90000046  }
0xb1: {  	s29 =	simm.s32 $0x9;
	_ =	strace $0x80000048  }
0xb2: {  	_ =	swait.ge [sflag:s29], $0x1  }
0xb3: {  	[sflag:s29] =	ssyncadd.s32 $0xFFFFFFFF  }
0xb4: {  	_ =	strace $0x90000048  }
0xb5: {  	_ =	sfence  }
0xb6: {  	s30 =	sld [smem:$0x0];
	_ =	sdelay $0x2  }
0xb7: {  	s31 =	sshll.u32 s1, $0xD;
	s1 =	sshrl.u32 s1, $0x2  }
0xb8: {  	s3 =	sand.u32 $0x4000, s31;
	s1 =	sadd.s32 s1, s30  }
0xb9: {  	s0 =	sor.u32 s3, s0;
	s1 =	sshll.u32 s1, $0x11  }
0xba: {  	s0 =	sor.u32 s1, s0  }
0xbb: {  	s0 =	sadd.s32 $0x8F2B, s0  }
0xbc: {  	[sflag:s0] =	ssyncadd.remote.s32 $0x1  }
0xbd: {  	_ =	sfence.sel $0xFFFF  }
0xbe: {  	[dreg:$0x0] =	wrdreg $0xFFFFFFFF;
	(pc) =	sbr.abs _section_cstart, $3  }
0xbf: {  	[dreg:$0x1] =	wrdreg $0xFFFFFFFF  }
0xc0: {  	_ =	task.clear_ibuf [dreg:s6], $0x2FFFF;
	_ =	strace $0x9FFFFFFF  }
0xc1: {  	(tm) =	ssettm $0x7FFFFFFF  }
tec
execute0_lowered:
.L_overlay_start_1:
0x0: {  	(tag) =	ssettag $0x1  }
0x1: {  	s1 =	srdreg.scid;
	s0 =	stileid.u32  }
0x2: {  	s31 =	sand.u32 $0x1, s1;
	s26 =	sshll.u32 s0, $0x1  }
0x3: {  	s14 =	sor.u32 s31, s26  }
0x4: {  	s3 =	smul.u32 $0xF0, s14  }
0x5: {  	s12 =	rddreg [dreg:$0x0];
	s2 =	simm.s32 $0x0  }
0x6: {  	[smem:$0x7FF] =	sst s2;
	s3 =	sadd.s32 s3, s12  }
0x7: {  	s4 =	simm.s32 $0x7;
	_ =	strace $0x80000047;
	s3 =	sadd.s32 $0x9C00, s3  }
0x8: {  	[tilespmem:s2], [sflag:$0x7] =	stream.linear.gather [hbm4b:s3+s2], $0x780, $0x38;
	[tilespmem:$0x16F80] =	vst v63  }
0x9: {  	_ =	swait.ge [sflag:s4], $0x780  }
0xa: {  	s6 =	simm.s32 $0xF0;
	[sflag:s4] =	ssyncset.done $0x0  }
0xb: {  	s7 =	simm.s32 $0x780;
	s5 =	sadd.s32 $0x1C00, s12;
	[sflag:s4] =	ssyncadd.s32 $0xFFFFF880  }
0xc: {  	[tilespmem:s7], [sflag:$0x1] =	stream.indirect.gather [hbm4b:s5+s6], $0x80, s2, s6, $0xb8;
	[tilespmem:$0x16F80] =	vst v63  }
0xd: {  	s8 =	simm.s32 $0x7F80  }
0xe: {  	[tilespmem:s8], [sflag:$0x2] =	stream.indirect.gather [hbm4b:s5+s6], $0x80, s6, s6, $0xb8;
	[tilespmem:$0x16F80] =	vst v63  }
0xf: {  	s9 =	simm.s32 $0x1E0;
	s10 =	simm.s32 $0xF780;
	s11 =	simm.s32 $0x1  }
0x10: {  	[tilespmem:s10], [sflag:$0x3] =	stream.indirect.gather [hbm4b:s5+s6], $0x80, s9, s6, $0xb8;
	[tilespmem:$0x16F80] =	vst v63  }
0x11: {  	s13 =	smul.u32 $0x7800, s14;
	_ =	swait.ge [sflag:s11], $0x7800  }
0x12: {  	s16 =	sadd.s32 $0xBA00, s12;
	[sflag:s11] =	ssyncset.done $0x0  }
0x13: {  	s12 =	sadd.s32 s16, s13;
	s13 =	simm.s32 $0x4;
	[sflag:s11] =	ssyncadd.s32 $0xFFFF8800  }
0x14: {  	[hbm4b:s12+s2] =	stream.linear.scatter [tilespmem:s7], [sflag:$0x4], $0x7800, $0x38;
	[tilespmem:$0x16F80] =	vst v63  }
0x15: {  	_ =	swait.ge [sflag:s13], $0x7800  }
0x16: {  	s15 =	simm.s32 $0x2;
	[sflag:s13] =	ssyncset.done $0x0  }
0x17: {  	s17 =	smul.u32 $0x3C000, s14;
	s14 =	simm.s32 $0x2D0;
	[sflag:s13] =	ssyncadd.s32 $0xFFFF8800  }
0x18: {  	[tilespmem:s7], [sflag:$0x1] =	stream.indirect.gather [hbm4b:s5+s6], $0x80, s14, s6, $0xb8;
	[tilespmem:$0x16F80] =	vst v63  }
0x19: {  	s17 =	sshrl.u32 s17, $0x3;
	_ =	swait.ge [sflag:s15], $0x7800  }
0x1a: {  	s30 =	sadd.s32 s16, s17;
	[sflag:s15] =	ssyncset.done $0x0  }
0x1b: {  	s16 =	simm.s32 $0x5;
	s17 =	sadd.s32 $0xF00, s30;
	[sflag:s15] =	ssyncadd.s32 $0xFFFF8800  }
0x1c: {  	[hbm4b:s17+s2] =	stream.linear.scatter [tilespmem:s8], [sflag:$0x5], $0x7800, $0x38;
	[tilespmem:$0x16F80] =	vst v63  }
0x1d: {  	_ =	swait.ge [sflag:s16], $0x7800  }
0x1e: {  	[sflag:s16] =	ssyncset.done $0x0  }
0x1f: {  	s18 =	simm.s32 $0x3C0;
	s19 =	simm.s32 $0x3;
	[sflag:s16] =	ssyncadd.s32 $0xFFFF8800  }
0x20: {  	[tilespmem:s8], [sflag:$0x2] =	stream.indirect.gather [hbm4b:s5+s6], $0x80, s18, s6, $0xb8;
	[tilespmem:$0x16F80] =	vst v63  }
0x21: {  	_ =	swait.ge [sflag:s19], $0x7800  }
0x22: {  	[sflag:s19] =	ssyncset.done $0x0  }
0x23: {  	s21 =	simm.s32 $0x6;
	s20 =	sadd.s32 $0x1E00, s30;
	[sflag:s19] =	ssyncadd.s32 $0xFFFF8800  }
0x24: {  	[hbm4b:s20+s2] =	stream.linear.scatter [tilespmem:s10], [sflag:$0x6], $0x7800, $0x38;
	[tilespmem:$0x16F80] =	vst v63  }
0x25: {  	_ =	swait.ge [sflag:s21], $0x7800  }
0x26: {  	[sflag:s21] =	ssyncset.done $0x0  }
0x27: {  	s22 =	simm.s32 $0x4B0;
	[sflag:s21] =	ssyncadd.s32 $0xFFFF8800  }
0x28: {  	[tilespmem:s10], [sflag:$0x3] =	stream.indirect.gather [hbm4b:s5+s6], $0x80, s22, s6, $0xb8;
	[tilespmem:$0x16F80] =	vst v63  }
0x29: {  	_ =	swait.ge [sflag:s11], $0x7800  }
0x2a: {  	[sflag:s11] =	ssyncset.done $0x0  }
0x2b: {  	s23 =	sadd.s32 $0x2D00, s30;
	[sflag:s11] =	ssyncadd.s32 $0xFFFF8800  }
0x2c: {  	[hbm4b:s23+s2] =	stream.linear.scatter [tilespmem:s7], [sflag:$0x4], $0x7800, $0x38;
	[tilespmem:$0x16F80] =	vst v63  }
0x2d: {  	_ =	swait.ge [sflag:s13], $0x7800  }
0x2e: {  	[sflag:s13] =	ssyncset.done $0x0  }
0x2f: {  	s24 =	simm.s32 $0x5A0;
	[sflag:s13] =	ssyncadd.s32 $0xFFFF8800  }
0x30: {  	[tilespmem:s7], [sflag:$0x1] =	stream.indirect.gather [hbm4b:s5+s6], $0x80, s24, s6, $0xb8;
	[tilespmem:$0x16F80] =	vst v63  }
0x31: {  	_ =	swait.ge [sflag:s15], $0x7800  }
0x32: {  	[sflag:s15] =	ssyncset.done $0x0  }
0x33: {  	s25 =	sadd.s32 $0x3C00, s30;
	[sflag:s15] =	ssyncadd.s32 $0xFFFF8800  }
0x34: {  	[hbm4b:s25+s2] =	stream.linear.scatter [tilespmem:s8], [sflag:$0x5], $0x7800, $0x38;
	[tilespmem:$0x16F80] =	vst v63  }
0x35: {  	_ =	swait.ge [sflag:s16], $0x7800  }
0x36: {  	[sflag:s16] =	ssyncset.done $0x0  }
0x37: {  	s26 =	simm.s32 $0x690;
	[sflag:s16] =	ssyncadd.s32 $0xFFFF8800  }
0x38: {  	[tilespmem:s8], [sflag:$0x2] =	stream.indirect.gather [hbm4b:s5+s6], $0x80, s26, s6, $0xb8;
	[tilespmem:$0x16F80] =	vst v63  }
0x39: {  	_ =	swait.ge [sflag:s19], $0x7800  }
0x3a: {  	[sflag:s19] =	ssyncset.done $0x0  }
0x3b: {  	s28 =	sadd.s32 $0x4B00, s30;
	[sflag:s19] =	ssyncadd.s32 $0xFFFF8800  }
0x3c: {  	[hbm4b:s28+s2] =	stream.linear.scatter [tilespmem:s10], [sflag:$0x6], $0x7800, $0x38;
	[tilespmem:$0x16F80] =	vst v63  }
0x3d: {  	_ =	swait.ge [sflag:s11], $0x7800  }
0x3e: {  	[sflag:s11] =	ssyncset.done $0x0  }
0x3f: {  	s29 =	sadd.s32 $0x5A00, s30;
	[sflag:s11] =	ssyncadd.s32 $0xFFFF8800  }
0x40: {  	[hbm4b:s29+s2] =	stream.linear.scatter [tilespmem:s7], [sflag:$0x4], $0x7800, $0x38;
	[tilespmem:$0x16F80] =	vst v63  }
0x41: {  	_ =	swait.ge [sflag:s15], $0x7800  }
0x42: {  	s31 =	ssub.s32 $0x2, s31;
	[sflag:s15] =	ssyncset.done $0x0  }
0x43: {  	s1 =	sshrl.u32 s31, $0x1;
	s30 =	sadd.s32 $0x6900, s30;
	[sflag:s15] =	ssyncadd.s32 $0xFFFF8800  }
0x44: {  	[hbm4b:s30+s2] =	stream.linear.scatter [tilespmem:s8], [sflag:$0x5], $0x7800, $0x38;
	[tilespmem:$0x16F80] =	vst v63  }
0x45: {  	s1 =	ssub.s32 s31, s1;
	_ =	swait.ge [sflag:s21], $0x7800  }
0x46: {  	s1 =	smax.u32 s1, $0x1;
	[sflag:s21] =	ssyncset.done $0x0  }
0x47: {  	p0 =	sne.s32 s1, $0x1;
	[sflag:s21] =	ssyncadd.s32 $0xFFFF8800  }
.Ltmp0:
0x48: {  	_ =	swait.ge [sflag:s13], $0x7800;
	(pc) =	sbr.rel @!p0 .LBB2_2-.Ltmp0, $4  }
0x49: {  	[sflag:s13] =	ssyncset.done $0x0  }
0x4a: {  	[sflag:s13] =	ssyncadd.s32 $0xFFFF8800  }
0x4b: {  	_ =	swait.ge [sflag:s16], $0x7800  }
0x4c: {  	s31 =	sadd.s32 $0xFFFFFFFF, s1;
	[sflag:s16] =	ssyncset.done $0x0  }
.LBB2_1:
0x4d: {  	p0 =	sne.s32 s31, $0x1;
	s31 =	sadd.s32 $0xFFFFFFFF, s31;
	[sflag:s16] =	ssyncadd.s32 $0xFFFF8800  }
0x4e: {  	[tilespmem:s2], [sflag:$0x7] =	stream.linear.gather [hbm4b:s3+s2], $0x780, $0x38;
	[tilespmem:$0x16F80] =	vst v63  }
0x4f: {  	_ =	swait.ge [sflag:s4], $0x780  }
0x50: {  	[sflag:s4] =	ssyncset.done $0x0  }
0x51: {  	[sflag:s4] =	ssyncadd.s32 $0xFFFFF880  }
0x52: {  	[tilespmem:s7], [sflag:$0x1] =	stream.indirect.gather [hbm4b:s5+s6], $0x80, s2, s6, $0xb8;
	[tilespmem:$0x16F80] =	vst v63  }
0x53: {  	_ = 	snop  }
0x54: {  	[tilespmem:s8], [sflag:$0x2] =	stream.indirect.gather [hbm4b:s5+s6], $0x80, s6, s6, $0xb8;
	[tilespmem:$0x16F80] =	vst v63  }
0x55: {  	_ = 	snop  }
0x56: {  	[tilespmem:s10], [sflag:$0x3] =	stream.indirect.gather [hbm4b:s5+s6], $0x80, s9, s6, $0xb8;
	[tilespmem:$0x16F80] =	vst v63  }
0x57: {  	_ =	swait.ge [sflag:s11], $0x7800  }
0x58: {  	[sflag:s11] =	ssyncset.done $0x0  }
0x59: {  	[sflag:s11] =	ssyncadd.s32 $0xFFFF8800  }
0x5a: {  	[hbm4b:s12+s2] =	stream.linear.scatter [tilespmem:s7], [sflag:$0x4], $0x7800, $0x38;
	[tilespmem:$0x16F80] =	vst v63  }
0x5b: {  	_ =	swait.ge [sflag:s13], $0x7800  }
0x5c: {  	[sflag:s13] =	ssyncset.done $0x0  }
0x5d: {  	[sflag:s13] =	ssyncadd.s32 $0xFFFF8800  }
0x5e: {  	[tilespmem:s7], [sflag:$0x1] =	stream.indirect.gather [hbm4b:s5+s6], $0x80, s14, s6, $0xb8;
	[tilespmem:$0x16F80] =	vst v63  }
0x5f: {  	_ =	swait.ge [sflag:s15], $0x7800  }
0x60: {  	[sflag:s15] =	ssyncset.done $0x0  }
0x61: {  	[sflag:s15] =	ssyncadd.s32 $0xFFFF8800  }
0x62: {  	[hbm4b:s17+s2] =	stream.linear.scatter [tilespmem:s8], [sflag:$0x5], $0x7800, $0x38;
	[tilespmem:$0x16F80] =	vst v63  }
0x63: {  	_ =	swait.ge [sflag:s16], $0x7800  }
0x64: {  	[sflag:s16] =	ssyncset.done $0x0  }
0x65: {  	[sflag:s16] =	ssyncadd.s32 $0xFFFF8800  }
0x66: {  	[tilespmem:s8], [sflag:$0x2] =	stream.indirect.gather [hbm4b:s5+s6], $0x80, s18, s6, $0xb8;
	[tilespmem:$0x16F80] =	vst v63  }
0x67: {  	_ =	swait.ge [sflag:s19], $0x7800  }
0x68: {  	[sflag:s19] =	ssyncset.done $0x0  }
0x69: {  	[sflag:s19] =	ssyncadd.s32 $0xFFFF8800  }
0x6a: {  	[hbm4b:s20+s2] =	stream.linear.scatter [tilespmem:s10], [sflag:$0x6], $0x7800, $0x38;
	[tilespmem:$0x16F80] =	vst v63  }
0x6b: {  	_ =	swait.ge [sflag:s21], $0x7800  }
0x6c: {  	[sflag:s21] =	ssyncset.done $0x0  }
0x6d: {  	[sflag:s21] =	ssyncadd.s32 $0xFFFF8800  }
0x6e: {  	[tilespmem:s10], [sflag:$0x3] =	stream.indirect.gather [hbm4b:s5+s6], $0x80, s22, s6, $0xb8;
	[tilespmem:$0x16F80] =	vst v63  }
0x6f: {  	_ =	swait.ge [sflag:s11], $0x7800  }
0x70: {  	[sflag:s11] =	ssyncset.done $0x0  }
0x71: {  	[sflag:s11] =	ssyncadd.s32 $0xFFFF8800  }
0x72: {  	[hbm4b:s23+s2] =	stream.linear.scatter [tilespmem:s7], [sflag:$0x4], $0x7800, $0x38;
	[tilespmem:$0x16F80] =	vst v63  }
0x73: {  	_ =	swait.ge [sflag:s13], $0x7800  }
0x74: {  	[sflag:s13] =	ssyncset.done $0x0  }
0x75: {  	[sflag:s13] =	ssyncadd.s32 $0xFFFF8800  }
0x76: {  	[tilespmem:s7], [sflag:$0x1] =	stream.indirect.gather [hbm4b:s5+s6], $0x80, s24, s6, $0xb8;
	[tilespmem:$0x16F80] =	vst v63  }
0x77: {  	_ =	swait.ge [sflag:s15], $0x7800  }
0x78: {  	[sflag:s15] =	ssyncset.done $0x0  }
0x79: {  	[sflag:s15] =	ssyncadd.s32 $0xFFFF8800  }
0x7a: {  	[hbm4b:s25+s2] =	stream.linear.scatter [tilespmem:s8], [sflag:$0x5], $0x7800, $0x38;
	[tilespmem:$0x16F80] =	vst v63  }
0x7b: {  	_ =	swait.ge [sflag:s16], $0x7800  }
0x7c: {  	[sflag:s16] =	ssyncset.done $0x0  }
0x7d: {  	[sflag:s16] =	ssyncadd.s32 $0xFFFF8800  }
0x7e: {  	[tilespmem:s8], [sflag:$0x2] =	stream.indirect.gather [hbm4b:s5+s6], $0x80, s26, s6, $0xb8;
	[tilespmem:$0x16F80] =	vst v63  }
0x7f: {  	_ =	swait.ge [sflag:s19], $0x7800  }
0x80: {  	[sflag:s19] =	ssyncset.done $0x0  }
0x81: {  	[sflag:s19] =	ssyncadd.s32 $0xFFFF8800  }
0x82: {  	[hbm4b:s28+s2] =	stream.linear.scatter [tilespmem:s10], [sflag:$0x6], $0x7800, $0x38;
	[tilespmem:$0x16F80] =	vst v63  }
0x83: {  	_ =	swait.ge [sflag:s11], $0x7800  }
0x84: {  	[sflag:s11] =	ssyncset.done $0x0  }
0x85: {  	[sflag:s11] =	ssyncadd.s32 $0xFFFF8800  }
0x86: {  	[hbm4b:s29+s2] =	stream.linear.scatter [tilespmem:s7], [sflag:$0x4], $0x7800, $0x38;
	[tilespmem:$0x16F80] =	vst v63  }
0x87: {  	_ =	swait.ge [sflag:s15], $0x7800  }
0x88: {  	[sflag:s15] =	ssyncset.done $0x0  }
0x89: {  	[sflag:s15] =	ssyncadd.s32 $0xFFFF8800  }
0x8a: {  	[hbm4b:s30+s2] =	stream.linear.scatter [tilespmem:s8], [sflag:$0x5], $0x7800, $0x38;
	[tilespmem:$0x16F80] =	vst v63  }
0x8b: {  	_ =	swait.ge [sflag:s21], $0x7800  }
0x8c: {  	[sflag:s21] =	ssyncset.done $0x0  }
0x8d: {  	[sflag:s21] =	ssyncadd.s32 $0xFFFF8800  }
.Ltmp1:
0x8e: {  	_ =	swait.ge [sflag:s13], $0x7800;
	(pc) =	sbr.rel @p0 .LBB2_1-.Ltmp1, $4  }
0x8f: {  	[sflag:s13] =	ssyncset.done $0x0  }
0x90: {  	[sflag:s13] =	ssyncadd.s32 $0xFFFF8800  }
0x91: {  	_ =	swait.ge [sflag:s16], $0x7800  }
0x92: {  	[sflag:s16] =	ssyncset.done $0x0  }
.LBB2_2:
0x93: {  	[sflag:s16] =	ssyncadd.s32 $0xFFFF8800  }
0x94: {  	_ =	sfence.sel $0x180000  }
0x95: {  	[bflag:$0x0] =	sbarrier.arrive $0xFFFF  }
0x96: {  	_ =	strace $0x90000047  }
0x97: {  	[bflag:$0x2] =	sbarrier.arrive $0xFFFF  }
0x98: {  	p0 =	sne.s32 s0, $0x0;
	s0 =	rddreg [dreg:$0x1]  }
0x99: {  	s0 =	sadd.s32 @!p0 $0x100000, s0  }
0x9a: {  	[sflag:s0] =	ssyncadd.tile.s32 @!p0 $0x1;
	_ =	shalt  }
.Lfunc_end2:
_tile_overlayer_lowered:
.L_overlay_start_2:
0x9b: {  	(tag) =	ssettag $0x2  }
0x9c: {  	s0 =	rddreg [dreg:$0x0];
	s2 =	stileid.u32  }
0x9d: {  	s1 =	rddreg [dreg:$0x1];
	p0 =	sne.s32 s2, $0x0  }
0x9e: {  	s3 =	rddreg [dreg:$0x2];
	[bflag:$0x3] =	sbarrier.arrive $0xFFFF;
	s2 =	simm.s32 @!p0 $0x1C07  }
0x9f: {  	[timem:s3], [sflag:s2] =	dma.local @!p0 [hbm:s0], s1  }
0xa0: {  	s0 =	simm.s32 @!p0 $0x7  }
0xa1: {  	_ =	swait.ge @!p0 [sflag:s0], s1  }
0xa2: {  	s1 =	ssub.s32 @!p0 $0x0, s1;
	[sflag:s0] =	ssyncset.done @!p0 $0x0  }
0xa3: {  	[sflag:s0] =	ssyncadd.s32 @!p0 s1  }
0xa4: {  	[bflag:$0x3] =	sbarrier.arrive $0xFFFF  }
0xa5: {  	_ =	shalt  }

</sc_bundles>
